<compile_context>
chip_gen: v7x
topology: tpu7x:2x2x1
jax: 0.10.2.dev20260603
libtpu: 0.0.44.dev20260713+nightly
codegen_flags: <defaults>
</compile_context>

<pallas_src>
import functools

import jax
import jax.numpy as jnp
from jax import lax
from jax.experimental import pallas as pl
from jax.experimental.pallas import tpu as pltpu
from jax.experimental.pallas import tpu_sc as plsc

B, I, H, O = 128, 512, 1024, 256
E1, E2 = 65536, 65536
NS = 16
CH = 128
ROWS = (E1 // NS) // CH
N1 = I * H
N2 = H * O
ZCH = 4096
LANES = 16

@functools.cache
def _get_densify():
  mesh = plsc.VectorSubcoreMesh(core_axis_name="c", subcore_axis_name="s",
                                num_cores=2, num_subcores=NS)

  @functools.partial(
      pl.kernel,
      out_type=(
          jax.ShapeDtypeStruct((N1,), jnp.float32),
          jax.ShapeDtypeStruct((N2,), jnp.float32),
      ),
      mesh=mesh,
      scratch_types=(
          pltpu.VMEM((ROWS, CH), jnp.int32),
          pltpu.VMEM((ROWS, CH), jnp.int32),
          pltpu.VMEM((ROWS, CH), jnp.float32),
          pltpu.VMEM((ROWS, CH), jnp.int32),
          pltpu.VMEM((ZCH,), jnp.float32),
          pltpu.VMEM_SHARED((N1,), jnp.float32),
          pltpu.SemaphoreType.DMA,
          pltpu.SemaphoreType.DMA,
          pltpu.SemaphoreType.DMA,
      ),
  )
  def _densify(e1i, e1o, w1e, e2i, e2o, w2e, w1d, w2d,
               vin, vout, vw, vidx, vzero, acc, sem_in, sem_z, sem_s):
    cid = lax.axis_index("c")
    sid = lax.axis_index("s")

    def zero_vzero():
        def body(i, _):
            vzero[pl.ds(i * LANES, LANES)] = jnp.zeros((LANES,), jnp.float32)
            return 0
        lax.fori_loop(0, ZCH // LANES, body, 0)

    def run_layer(ei, eo, we, out, n_dst, nrows):
        rows0 = sid * ROWS
        stage = [
            pltpu.async_copy(ei.at[pl.ds(rows0, ROWS)], vin, sem_in),
            pltpu.async_copy(eo.at[pl.ds(rows0, ROWS)], vout, sem_in),
            pltpu.async_copy(we.at[pl.ds(rows0, ROWS)], vw, sem_in),
        ]
        per_tile = n_dst // NS
        zbase = sid * per_tile

        def zbody(k, _):
            pltpu.async_copy(vzero, acc.at[pl.ds(zbase + k * ZCH, ZCH)], sem_z)
            return 0
        lax.fori_loop(0, per_tile // ZCH, zbody, 0)
        for cp in stage:
            cp.wait()

        blk = nrows * CH

        def ibody(r, _):
            for l in range(CH // LANES):
                s = pl.ds(l * LANES, LANES)
                vo = vout[r, s]
                vidx[r, s] = ((vo >> 7) * blk + (vin[r, s] << 7)
                              + (vo & (CH - 1)))
            return 0
        lax.fori_loop(0, ROWS, ibody, 0)

        pltpu.make_async_copy(
            out.at[pl.ds(zbase, per_tile)],
            acc.at[pl.ds(zbase, per_tile)], sem_z).wait()
        plsc.subcore_barrier()

        def sbody(r, _):
            pltpu.async_copy(vw.at[r], acc.at[vidx.at[r]], sem_s, add=True)
            return 0
        lax.fori_loop(0, ROWS, sbody, 0)
        pltpu.make_async_copy(we.at[pl.ds(0, ROWS)], vw, sem_s).wait()

        plsc.subcore_barrier()

        pltpu.sync_copy(acc.at[pl.ds(zbase, per_tile)],
                        out.at[pl.ds(zbase, per_tile)])

    zero_vzero()

    @pl.when(cid == 0)
    def _():
        run_layer(e1i, e1o, w1e, w1d, N1, I)

    @pl.when(cid == 1)
    def _():
        run_layer(e2i, e2o, w2e, w2d, N2, H)

  return _densify


def _split(a):
    hi = a.astype(jnp.bfloat16)
    lo = (a - hi.astype(jnp.float32)).astype(jnp.bfloat16)
    return hi, lo


def _dot3(a_hi, a_lo, b):
    b_hi, b_lo = _split(b)
    return (jnp.dot(a_hi, b_hi, preferred_element_type=jnp.float32)
            + jnp.dot(a_lo, b_hi, preferred_element_type=jnp.float32)
            + jnp.dot(a_hi, b_lo, preferred_element_type=jnp.float32))


def _mm_body(x_ref, w1_ref, w2_ref, o_ref, h_ref):
    x_hi, x_lo = _split(x_ref[...])
    for p in range(H // 256):
        rhs = jnp.concatenate([w1_ref[2 * p], w1_ref[2 * p + 1]], axis=1)
        h_ref[:, p * 256:(p + 1) * 256] = jnp.maximum(
            _dot3(x_hi, x_lo, rhs), 0.0)
    h_hi, h_lo = _split(h_ref[...])
    o_ref[...] = _dot3(h_hi, h_lo,
                       jnp.concatenate([w2_ref[0], w2_ref[1]], axis=1))


_mm = pl.pallas_call(
    _mm_body,
    out_shape=jax.ShapeDtypeStruct((B, O), jnp.float32),
    scratch_shapes=[pltpu.VMEM((B, H), jnp.float32)],
)


def kernel(x, e1_in, e1_out, w1, e2_in, e2_out, w2):
    w1d, w2d = _get_densify()(
        e1_in.reshape(E1 // CH, CH), e1_out.reshape(E1 // CH, CH),
        w1.reshape(E1 // CH, CH),
        e2_in.reshape(E2 // CH, CH), e2_out.reshape(E2 // CH, CH),
        w2.reshape(E2 // CH, CH),
    )
    return _mm(x, w1d.reshape(H // 128, I, 128),
               w2d.reshape(O // 128, H, 128))

# --- scband reference (transcript-rebuilt; emitter-appended) ---
"""Pipeline reference for scband-dynamic-network-61813169324318 (READ-ONLY COPY).

The authoritative reference and input builder live on the scoring server;
editing this copy changes nothing except your own understanding.
"""

import jax, jax.numpy as jnp
import numpy as np

B, I, H, O = 128, 512, 1024, 256
E1, E2 = 65536, 65536

def setup_inputs(seed: int = 0) -> dict:
    key = jax.random.key(seed)
    ks = jax.random.split(key, 7)
    x = jax.random.normal(ks[0], (B, I), dtype=jnp.float32)
    e1_in = jax.random.randint(ks[1], (E1,), 0, I)
    e1_out = jax.random.randint(ks[2], (E1,), 0, H)
    w1 = jax.random.normal(ks[3], (E1,), dtype=jnp.float32) * 0.1
    e2_in = jax.random.randint(ks[4], (E2,), 0, H)
    e2_out = jax.random.randint(ks[5], (E2,), 0, O)
    w2 = jax.random.normal(ks[6], (E2,), dtype=jnp.float32) * 0.1
    return {"x": x, "e1_in": e1_in, "e1_out": e1_out, "w1": w1,
            "e2_in": e2_in, "e2_out": e2_out, "w2": w2}

def reference(x, e1_in, e1_out, w1, e2_in, e2_out, w2):
    # Faithful vectorization of DynamicNetwork.forward for a layered genome.
    # Topological eval order: input nodes (identity) -> hidden nodes -> output nodes.
    # Each enabled connection contributes node_values[in_id] * weight to the
    # out node's weighted_sum (a per-edge gather + scatter-add), then the
    # node activation is applied (relu for hidden, linear for output).
    b = x.shape[0]
    # Layer 1: gather source node values per edge, scale by edge weight, scatter-add to dst
    msgs1 = x[:, e1_in] * w1[None, :]
    hidden_pre = jnp.zeros((b, H), dtype=x.dtype).at[:, e1_out].add(msgs1)
    hidden = jax.nn.relu(hidden_pre)
    # Layer 2: same message-passing into output nodes (linear activation)
    msgs2 = hidden[:, e2_in] * w2[None, :]
    out_pre = jnp.zeros((b, O), dtype=x.dtype).at[:, e2_out].add(msgs2)
    return out_pre

if __name__ == "__main__":
    import jax
    _d = setup_inputs()
    print(jax.jit(kernel)(*tuple(_d.values())))

</pallas_src>

<mosaic_0001>
#map = affine_map<(d0, d1) -> (0, 0)>
#map1 = affine_map<(d0, d1) -> (0)>
module attributes {stable_mosaic.version = 14 : i64} {
  func.func @_densify(%arg0: i32, %arg1: i32, %arg2: memref<512x128xi32, #tpu.memory_space<hbm>>, %arg3: memref<512x128xi32, #tpu.memory_space<hbm>>, %arg4: memref<512x128xf32, #tpu.memory_space<hbm>>, %arg5: memref<512x128xi32, #tpu.memory_space<hbm>>, %arg6: memref<512x128xi32, #tpu.memory_space<hbm>>, %arg7: memref<512x128xf32, #tpu.memory_space<hbm>>, %arg8: memref<524288xf32, #tpu.memory_space<hbm>>, %arg9: memref<262144xf32, #tpu.memory_space<hbm>>, %arg10: memref<32x128xi32, #tpu.memory_space<vmem>>, %arg11: memref<32x128xi32, #tpu.memory_space<vmem>>, %arg12: memref<32x128xf32, #tpu.memory_space<vmem>>, %arg13: memref<32x128xi32, #tpu.memory_space<vmem>>, %arg14: memref<4096xf32, #tpu.memory_space<vmem>>, %arg15: memref<524288xf32, #tpu.memory_space<vmem_shared>>, %arg16: memref<!tpu.dma_semaphore, #tpu.memory_space<semaphore_mem>>, %arg17: memref<!tpu.dma_semaphore, #tpu.memory_space<semaphore_mem>>, %arg18: memref<!tpu.dma_semaphore, #tpu.memory_space<semaphore_mem>>) attributes {dimension_semantics = [#tpu.dimension_semantics<core_parallel>, #tpu.dimension_semantics<subcore_parallel>], iteration_bounds = array<i64: 2, 16>, scalar_prefetch = 0 : i64, scratch_operands = 9 : i64, tpu.core_type = #tpu.core_type<sc_vector_subcore>, window_params = [{transform_indices = #map}, {transform_indices = #map}, {transform_indices = #map}, {transform_indices = #map}, {transform_indices = #map}, {transform_indices = #map}, {transform_indices = #map1}, {transform_indices = #map1}]} {
    %scan3A = arith.constant 0 : i32
    %scan3A_0 = arith.constant 0 : i32
    %scan3A_1 = arith.constant 256 : i32
    %scan3A_2 = arith.addi %scan3A_0, %scan3A_1 : i32
    %scan3A_3 = arith.constant 1 : i32
    %scan3A_4 = scf.for %scan3A_13 = %scan3A_0 to %scan3A_2 step %scan3A_3 iter_args(%scan3A_14 = %scan3A) -> (i32)  : i32 {
      %broadcast_in_dim3A = arith.constant 0.000000e+00 : f32
      %broadcast_in_dim3A_15 = vector.broadcast %broadcast_in_dim3A : f32 to vector<16xf32>
      %mul3A = arith.constant 16 : i32
      %mul3A_16 = arith.muli %scan3A_13, %mul3A : i32
      %swap3A = arith.index_cast %mul3A_16 : i32 to index
      %swap3A_17 = tpu.vector_load %arg14[%swap3A] {strides = array<i32>} : memref<4096xf32, #tpu.memory_space<vmem>>, vector<16xf32>,
      %swap3A_18 = vector.shape_cast %swap3A_17 : vector<16xf32> to vector<16xf32>
      %swap3A_19 = vector.shape_cast %broadcast_in_dim3A_15 : vector<16xf32> to vector<16xf32>
      tpu.vector_store %arg14[%swap3A], %swap3A_19 {strides = array<i32>} : memref<4096xf32, #tpu.memory_space<vmem>>, vector<16xf32>,
      %scan3A_20 = arith.constant 0 : i32
      scf.yield %scan3A_20 : i32
    }
    %scan3A_5 = arith.constant 256 : i32
    %eq3A = arith.constant 0 : i32
    %eq3A_6 = arith.cmpi eq, %arg0, %eq3A : i32
    %convert_element_type3A = arith.extui %eq3A_6 : i1 to i32
    %cond3A = arith.constant 0 : i32
    %cond3A_7 = arith.cmpi ne, %convert_element_type3A, %cond3A : i32
    scf.if %cond3A_7 {
      %mul3A = arith.constant 32 : i32
      %mul3A_13 = arith.muli %arg1, %mul3A : i32
      %dma_start3A = arith.constant 0 : i32
      %dma_start3A_14 = tpu.memref_slice %arg2[%mul3A_13, %dma_start3A] : memref<512x128xi32, #tpu.memory_space<hbm>> -> memref<32x128xi32, #tpu.memory_space<hbm>>
      %dma_start3A_15 = arith.constant 0 : i32
      %dma_start3A_16 = tpu.memref_slice %arg2[%mul3A_13, %dma_start3A_15] : memref<512x128xi32, #tpu.memory_space<hbm>> -> memref<32x128xi32, #tpu.memory_space<hbm>>
      tpu.enqueue_dma source(%dma_start3A_16 : memref<32x128xi32, #tpu.memory_space<hbm>>) target(%arg10 : memref<32x128xi32, #tpu.memory_space<vmem>>) target_semaphore(%arg16 : memref<!tpu.dma_semaphore, #tpu.memory_space<semaphore_mem>>)
      %dma_start3A_17 = arith.constant 0 : i32
      %dma_start3A_18 = tpu.memref_slice %arg3[%mul3A_13, %dma_start3A_17] : memref<512x128xi32, #tpu.memory_space<hbm>> -> memref<32x128xi32, #tpu.memory_space<hbm>>
      %dma_start3A_19 = arith.constant 0 : i32
      %dma_start3A_20 = tpu.memref_slice %arg3[%mul3A_13, %dma_start3A_19] : memref<512x128xi32, #tpu.memory_space<hbm>> -> memref<32x128xi32, #tpu.memory_space<hbm>>
      tpu.enqueue_dma source(%dma_start3A_20 : memref<32x128xi32, #tpu.memory_space<hbm>>) target(%arg11 : memref<32x128xi32, #tpu.memory_space<vmem>>) target_semaphore(%arg16 : memref<!tpu.dma_semaphore, #tpu.memory_space<semaphore_mem>>)
      %dma_start3A_21 = arith.constant 0 : i32
      %dma_start3A_22 = tpu.memref_slice %arg4[%mul3A_13, %dma_start3A_21] : memref<512x128xf32, #tpu.memory_space<hbm>> -> memref<32x128xf32, #tpu.memory_space<hbm>>
      %dma_start3A_23 = arith.constant 0 : i32
      %dma_start3A_24 = tpu.memref_slice %arg4[%mul3A_13, %dma_start3A_23] : memref<512x128xf32, #tpu.memory_space<hbm>> -> memref<32x128xf32, #tpu.memory_space<hbm>>
      tpu.enqueue_dma source(%dma_start3A_24 : memref<32x128xf32, #tpu.memory_space<hbm>>) target(%arg12 : memref<32x128xf32, #tpu.memory_space<vmem>>) target_semaphore(%arg16 : memref<!tpu.dma_semaphore, #tpu.memory_space<semaphore_mem>>)
      %mul3A_25 = arith.constant 32768 : i32
      %mul3A_26 = arith.muli %arg1, %mul3A_25 : i32
      %scan3A_27 = arith.constant 0 : i32
      %scan3A_28 = arith.constant 0 : i32
      %scan3A_29 = arith.constant 8 : i32
      %scan3A_30 = arith.addi %scan3A_28, %scan3A_29 : i32
      %scan3A_31 = arith.constant 1 : i32
      %scan3A_32 = scf.for %scan3A_68 = %scan3A_28 to %scan3A_30 step %scan3A_31 iter_args(%scan3A_69 = %scan3A_27) -> (i32)  : i32 {
        %mul3A_70 = arith.constant 4096 : i32
        %mul3A_71 = arith.muli %scan3A_68, %mul3A_70 : i32
        %add3A = arith.addi %mul3A_26, %mul3A_71 : i32
        %dma_start3A_72 = tpu.memref_slice %arg15[%add3A] : memref<524288xf32, #tpu.memory_space<vmem_shared>> -> memref<4096xf32, #tpu.memory_space<vmem_shared>>
        %dma_start3A_73 = tpu.memref_slice %arg15[%add3A] : memref<524288xf32, #tpu.memory_space<vmem_shared>> -> memref<4096xf32, #tpu.memory_space<vmem_shared>>
        tpu.enqueue_dma source(%arg14 : memref<4096xf32, #tpu.memory_space<vmem>>) target(%dma_start3A_73 : memref<4096xf32, #tpu.memory_space<vmem_shared>>) target_semaphore(%arg17 : memref<!tpu.dma_semaphore, #tpu.memory_space<semaphore_mem>>)
        %scan3A_74 = arith.constant 0 : i32
        scf.yield %scan3A_74 : i32
      }
      %scan3A_33 = arith.constant 8 : i32
      %dma_wait3A = arith.constant 0 : i32
      %dma_wait3A_34 = tpu.memref_slice %arg2[%mul3A_13, %dma_wait3A] : memref<512x128xi32, #tpu.memory_space<hbm>> -> memref<32x128xi32, #tpu.memory_space<hbm>>
      %dma_wait3A_35 = arith.constant 0 : i32
      %dma_wait3A_36 = tpu.memref_slice %arg2[%mul3A_13, %dma_wait3A_35] : memref<512x128xi32, #tpu.memory_space<hbm>> -> memref<32x128xi32, #tpu.memory_space<hbm>>
      tpu.wait_dma2 semaphore(%arg16 : memref<!tpu.dma_semaphore, #tpu.memory_space<semaphore_mem>>) src(%dma_wait3A_36 : memref<32x128xi32, #tpu.memory_space<hbm>>) dst(%arg10 : memref<32x128xi32, #tpu.memory_space<vmem>>)
      %dma_wait3A_37 = arith.constant 0 : i32
      %dma_wait3A_38 = tpu.memref_slice %arg3[%mul3A_13, %dma_wait3A_37] : memref<512x128xi32, #tpu.memory_space<hbm>> -> memref<32x128xi32, #tpu.memory_space<hbm>>
      %dma_wait3A_39 = arith.constant 0 : i32
      %dma_wait3A_40 = tpu.memref_slice %arg3[%mul3A_13, %dma_wait3A_39] : memref<512x128xi32, #tpu.memory_space<hbm>> -> memref<32x128xi32, #tpu.memory_space<hbm>>
      tpu.wait_dma2 semaphore(%arg16 : memref<!tpu.dma_semaphore, #tpu.memory_space<semaphore_mem>>) src(%dma_wait3A_40 : memref<32x128xi32, #tpu.memory_space<hbm>>) dst(%arg11 : memref<32x128xi32, #tpu.memory_space<vmem>>)
      %dma_wait3A_41 = arith.constant 0 : i32
      %dma_wait3A_42 = tpu.memref_slice %arg4[%mul3A_13, %dma_wait3A_41] : memref<512x128xf32, #tpu.memory_space<hbm>> -> memref<32x128xf32, #tpu.memory_space<hbm>>
      %dma_wait3A_43 = arith.constant 0 : i32
      %dma_wait3A_44 = tpu.memref_slice %arg4[%mul3A_13, %dma_wait3A_43] : memref<512x128xf32, #tpu.memory_space<hbm>> -> memref<32x128xf32, #tpu.memory_space<hbm>>
      tpu.wait_dma2 semaphore(%arg16 : memref<!tpu.dma_semaphore, #tpu.memory_space<semaphore_mem>>) src(%dma_wait3A_44 : memref<32x128xf32, #tpu.memory_space<hbm>>) dst(%arg12 : memref<32x128xf32, #tpu.memory_space<vmem>>)
      %scan3A_45 = arith.constant 0 : i32
      %scan3A_46 = arith.constant 0 : i32
      %scan3A_47 = arith.constant 32 : i32
      %scan3A_48 = arith.addi %scan3A_46, %scan3A_47 : i32
      %scan3A_49 = arith.constant 1 : i32
      %scan3A_50 = scf.for %scan3A_68 = %scan3A_46 to %scan3A_48 step %scan3A_49 iter_args(%scan3A_69 = %scan3A_45) -> (i32)  : i32 {
        %get3A = arith.index_cast %scan3A_68 : i32 to index
        %get3A_70 = arith.constant 0 : index
        %get3A_71 = tpu.vector_load %arg11[%get3A, %get3A_70] {strides = array<i32>} : memref<32x128xi32, #tpu.memory_space<vmem>>, vector<1x16xi32>,
        %get3A_72 = vector.shape_cast %get3A_71 : vector<1x16xi32> to vector<16xi32>
        %shift_right_arithmetic3A = arith.constant 7 : i32
        %shift_right_arithmetic3A_73 = vector.broadcast %shift_right_arithmetic3A : i32 to vector<16xi32>
        %shift_right_arithmetic3A_74 = arith.shrsi %get3A_72, %shift_right_arithmetic3A_73 : vector<16xi32>
        %mul3A_75 = arith.constant 65536 : i32
        %mul3A_76 = vector.broadcast %mul3A_75 : i32 to vector<16xi32>
        %mul3A_77 = arith.muli %shift_right_arithmetic3A_74, %mul3A_76 : vector<16xi32>
        %get3A_78 = arith.index_cast %scan3A_68 : i32 to index
        %get3A_79 = arith.constant 0 : index
        %get3A_80 = tpu.vector_load %arg10[%get3A_78, %get3A_79] {strides = array<i32>} : memref<32x128xi32, #tpu.memory_space<vmem>>, vector<1x16xi32>,
        %get3A_81 = vector.shape_cast %get3A_80 : vector<1x16xi32> to vector<16xi32>
        %shift_left3A = arith.constant 7 : i32
        %shift_left3A_82 = vector.broadcast %shift_left3A : i32 to vector<16xi32>
        %shift_left3A_83 = arith.shli %get3A_81, %shift_left3A_82 : vector<16xi32>
        %add3A = arith.addi %mul3A_77, %shift_left3A_83 : vector<16xi32>
        %and3A = arith.constant 127 : i32
        %and3A_84 = vector.broadcast %and3A : i32 to vector<16xi32>
        %and3A_85 = arith.andi %get3A_72, %and3A_84 : vector<16xi32>
        %add3A_86 = arith.addi %add3A, %and3A_85 : vector<16xi32>
        %swap3A = arith.index_cast %scan3A_68 : i32 to index
        %swap3A_87 = arith.constant 0 : index
        %swap3A_88 = tpu.vector_load %arg13[%swap3A, %swap3A_87] {strides = array<i32>} : memref<32x128xi32, #tpu.memory_space<vmem>>, vector<1x16xi32>,
        %swap3A_89 = vector.shape_cast %swap3A_88 : vector<1x16xi32> to vector<16xi32>
        %swap3A_90 = vector.shape_cast %add3A_86 : vector<16xi32> to vector<1x16xi32>
        tpu.vector_store %arg13[%swap3A, %swap3A_87], %swap3A_90 {strides = array<i32>} : memref<32x128xi32, #tpu.memory_space<vmem>>, vector<1x16xi32>,
        %get3A_91 = arith.index_cast %scan3A_68 : i32 to index
        %get3A_92 = arith.constant 16 : index
        %get3A_93 = tpu.vector_load %arg11[%get3A_91, %get3A_92] {strides = array<i32>} : memref<32x128xi32, #tpu.memory_space<vmem>>, vector<1x16xi32>,
        %get3A_94 = vector.shape_cast %get3A_93 : vector<1x16xi32> to vector<16xi32>
        %shift_right_arithmetic3A_95 = arith.constant 7 : i32
        %shift_right_arithmetic3A_96 = vector.broadcast %shift_right_arithmetic3A_95 : i32 to vector<16xi32>
        %shift_right_arithmetic3A_97 = arith.shrsi %get3A_94, %shift_right_arithmetic3A_96 : vector<16xi32>
        %mul3A_98 = arith.constant 65536 : i32
        %mul3A_99 = vector.broadcast %mul3A_98 : i32 to vector<16xi32>
        %mul3A_100 = arith.muli %shift_right_arithmetic3A_97, %mul3A_99 : vector<16xi32>
        %get3A_101 = arith.index_cast %scan3A_68 : i32 to index
        %get3A_102 = arith.constant 16 : index
        %get3A_103 = tpu.vector_load %arg10[%get3A_101, %get3A_102] {strides = array<i32>} : memref<32x128xi32, #tpu.memory_space<vmem>>, vector<1x16xi32>,
        %get3A_104 = vector.shape_cast %get3A_103 : vector<1x16xi32> to vector<16xi32>
        %shift_left3A_105 = arith.constant 7 : i32
        %shift_left3A_106 = vector.broadcast %shift_left3A_105 : i32 to vector<16xi32>
        %shift_left3A_107 = arith.shli %get3A_104, %shift_left3A_106 : vector<16xi32>
        %add3A_108 = arith.addi %mul3A_100, %shift_left3A_107 : vector<16xi32>
        %and3A_109 = arith.constant 127 : i32
        %and3A_110 = vector.broadcast %and3A_109 : i32 to vector<16xi32>
        %and3A_111 = arith.andi %get3A_94, %and3A_110 : vector<16xi32>
        %add3A_112 = arith.addi %add3A_108, %and3A_111 : vector<16xi32>
        %swap3A_113 = arith.index_cast %scan3A_68 : i32 to index
        %swap3A_114 = arith.constant 16 : index
        %swap3A_115 = tpu.vector_load %arg13[%swap3A_113, %swap3A_114] {strides = array<i32>} : memref<32x128xi32, #tpu.memory_space<vmem>>, vector<1x16xi32>,
        %swap3A_116 = vector.shape_cast %swap3A_115 : vector<1x16xi32> to vector<16xi32>
        %swap3A_117 = vector.shape_cast %add3A_112 : vector<16xi32> to vector<1x16xi32>
        tpu.vector_store %arg13[%swap3A_113, %swap3A_114], %swap3A_117 {strides = array<i32>} : memref<32x128xi32, #tpu.memory_space<vmem>>, vector<1x16xi32>,
        %get3A_118 = arith.index_cast %scan3A_68 : i32 to index
        %get3A_119 = arith.constant 32 : index
        %get3A_120 = tpu.vector_load %arg11[%get3A_118, %get3A_119] {strides = array<i32>} : memref<32x128xi32, #tpu.memory_space<vmem>>, vector<1x16xi32>,
        %get3A_121 = vector.shape_cast %get3A_120 : vector<1x16xi32> to vector<16xi32>
        %shift_right_arithmetic3A_122 = arith.constant 7 : i32
        %shift_right_arithmetic3A_123 = vector.broadcast %shift_right_arithmetic3A_122 : i32 to vector<16xi32>
        %shift_right_arithmetic3A_124 = arith.shrsi %get3A_121, %shift_right_arithmetic3A_123 : vector<16xi32>
        %mul3A_125 = arith.constant 65536 : i32
        %mul3A_126 = vector.broadcast %mul3A_125 : i32 to vector<16xi32>
        %mul3A_127 = arith.muli %shift_right_arithmetic3A_124, %mul3A_126 : vector<16xi32>
        %get3A_128 = arith.index_cast %scan3A_68 : i32 to index
        %get3A_129 = arith.constant 32 : index
        %get3A_130 = tpu.vector_load %arg10[%get3A_128, %get3A_129] {strides = array<i32>} : memref<32x128xi32, #tpu.memory_space<vmem>>, vector<1x16xi32>,
        %get3A_131 = vector.shape_cast %get3A_130 : vector<1x16xi32> to vector<16xi32>
        %shift_left3A_132 = arith.constant 7 : i32
        %shift_left3A_133 = vector.broadcast %shift_left3A_132 : i32 to vector<16xi32>
        %shift_left3A_134 = arith.shli %get3A_131, %shift_left3A_133 : vector<16xi32>
        %add3A_135 = arith.addi %mul3A_127, %shift_left3A_134 : vector<16xi32>
        %and3A_136 = arith.constant 127 : i32
        %and3A_137 = vector.broadcast %and3A_136 : i32 to vector<16xi32>
        %and3A_138 = arith.andi %get3A_121, %and3A_137 : vector<16xi32>
        %add3A_139 = arith.addi %add3A_135, %and3A_138 : vector<16xi32>
        %swap3A_140 = arith.index_cast %scan3A_68 : i32 to index
        %swap3A_141 = arith.constant 32 : index
        %swap3A_142 = tpu.vector_load %arg13[%swap3A_140, %swap3A_141] {strides = array<i32>} : memref<32x128xi32, #tpu.memory_space<vmem>>, vector<1x16xi32>,
        %swap3A_143 = vector.shape_cast %swap3A_142 : vector<1x16xi32> to vector<16xi32>
        %swap3A_144 = vector.shape_cast %add3A_139 : vector<16xi32> to vector<1x16xi32>
        tpu.vector_store %arg13[%swap3A_140, %swap3A_141], %swap3A_144 {strides = array<i32>} : memref<32x128xi32, #tpu.memory_space<vmem>>, vector<1x16xi32>,
        %get3A_145 = arith.index_cast %scan3A_68 : i32 to index
        %get3A_146 = arith.constant 48 : index
        %get3A_147 = tpu.vector_load %arg11[%get3A_145, %get3A_146] {strides = array<i32>} : memref<32x128xi32, #tpu.memory_space<vmem>>, vector<1x16xi32>,
        %get3A_148 = vector.shape_cast %get3A_147 : vector<1x16xi32> to vector<16xi32>
        %shift_right_arithmetic3A_149 = arith.constant 7 : i32
        %shift_right_arithmetic3A_150 = vector.broadcast %shift_right_arithmetic3A_149 : i32 to vector<16xi32>
        %shift_right_arithmetic3A_151 = arith.shrsi %get3A_148, %shift_right_arithmetic3A_150 : vector<16xi32>
        %mul3A_152 = arith.constant 65536 : i32
        %mul3A_153 = vector.broadcast %mul3A_152 : i32 to vector<16xi32>
        %mul3A_154 = arith.muli %shift_right_arithmetic3A_151, %mul3A_153 : vector<16xi32>
        %get3A_155 = arith.index_cast %scan3A_68 : i32 to index
        %get3A_156 = arith.constant 48 : index
        %get3A_157 = tpu.vector_load %arg10[%get3A_155, %get3A_156] {strides = array<i32>} : memref<32x128xi32, #tpu.memory_space<vmem>>, vector<1x16xi32>,
        %get3A_158 = vector.shape_cast %get3A_157 : vector<1x16xi32> to vector<16xi32>
        %shift_left3A_159 = arith.constant 7 : i32
        %shift_left3A_160 = vector.broadcast %shift_left3A_159 : i32 to vector<16xi32>
        %shift_left3A_161 = arith.shli %get3A_158, %shift_left3A_160 : vector<16xi32>
        %add3A_162 = arith.addi %mul3A_154, %shift_left3A_161 : vector<16xi32>
        %and3A_163 = arith.constant 127 : i32
        %and3A_164 = vector.broadcast %and3A_163 : i32 to vector<16xi32>
        %and3A_165 = arith.andi %get3A_148, %and3A_164 : vector<16xi32>
        %add3A_166 = arith.addi %add3A_162, %and3A_165 : vector<16xi32>
        %swap3A_167 = arith.index_cast %scan3A_68 : i32 to index
        %swap3A_168 = arith.constant 48 : index
        %swap3A_169 = tpu.vector_load %arg13[%swap3A_167, %swap3A_168] {strides = array<i32>} : memref<32x128xi32, #tpu.memory_space<vmem>>, vector<1x16xi32>,
        %swap3A_170 = vector.shape_cast %swap3A_169 : vector<1x16xi32> to vector<16xi32>
        %swap3A_171 = vector.shape_cast %add3A_166 : vector<16xi32> to vector<1x16xi32>
        tpu.vector_store %arg13[%swap3A_167, %swap3A_168], %swap3A_171 {strides = array<i32>} : memref<32x128xi32, #tpu.memory_space<vmem>>, vector<1x16xi32>,
        %get3A_172 = arith.index_cast %scan3A_68 : i32 to index
        %get3A_173 = arith.constant 64 : index
        %get3A_174 = tpu.vector_load %arg11[%get3A_172, %get3A_173] {strides = array<i32>} : memref<32x128xi32, #tpu.memory_space<vmem>>, vector<1x16xi32>,
        %get3A_175 = vector.shape_cast %get3A_174 : vector<1x16xi32> to vector<16xi32>
        %shift_right_arithmetic3A_176 = arith.constant 7 : i32
        %shift_right_arithmetic3A_177 = vector.broadcast %shift_right_arithmetic3A_176 : i32 to vector<16xi32>
        %shift_right_arithmetic3A_178 = arith.shrsi %get3A_175, %shift_right_arithmetic3A_177 : vector<16xi32>
        %mul3A_179 = arith.constant 65536 : i32
        %mul3A_180 = vector.broadcast %mul3A_179 : i32 to vector<16xi32>
        %mul3A_181 = arith.muli %shift_right_arithmetic3A_178, %mul3A_180 : vector<16xi32>
        %get3A_182 = arith.index_cast %scan3A_68 : i32 to index
        %get3A_183 = arith.constant 64 : index
        %get3A_184 = tpu.vector_load %arg10[%get3A_182, %get3A_183] {strides = array<i32>} : memref<32x128xi32, #tpu.memory_space<vmem>>, vector<1x16xi32>,
        %get3A_185 = vector.shape_cast %get3A_184 : vector<1x16xi32> to vector<16xi32>
        %shift_left3A_186 = arith.constant 7 : i32
        %shift_left3A_187 = vector.broadcast %shift_left3A_186 : i32 to vector<16xi32>
        %shift_left3A_188 = arith.shli %get3A_185, %shift_left3A_187 : vector<16xi32>
        %add3A_189 = arith.addi %mul3A_181, %shift_left3A_188 : vector<16xi32>
        %and3A_190 = arith.constant 127 : i32
        %and3A_191 = vector.broadcast %and3A_190 : i32 to vector<16xi32>
        %and3A_192 = arith.andi %get3A_175, %and3A_191 : vector<16xi32>
        %add3A_193 = arith.addi %add3A_189, %and3A_192 : vector<16xi32>
        %swap3A_194 = arith.index_cast %scan3A_68 : i32 to index
        %swap3A_195 = arith.constant 64 : index
        %swap3A_196 = tpu.vector_load %arg13[%swap3A_194, %swap3A_195] {strides = array<i32>} : memref<32x128xi32, #tpu.memory_space<vmem>>, vector<1x16xi32>,
        %swap3A_197 = vector.shape_cast %swap3A_196 : vector<1x16xi32> to vector<16xi32>
        %swap3A_198 = vector.shape_cast %add3A_193 : vector<16xi32> to vector<1x16xi32>
        tpu.vector_store %arg13[%swap3A_194, %swap3A_195], %swap3A_198 {strides = array<i32>} : memref<32x128xi32, #tpu.memory_space<vmem>>, vector<1x16xi32>,
        %get3A_199 = arith.index_cast %scan3A_68 : i32 to index
        %get3A_200 = arith.constant 80 : index
        %get3A_201 = tpu.vector_load %arg11[%get3A_199, %get3A_200] {strides = array<i32>} : memref<32x128xi32, #tpu.memory_space<vmem>>, vector<1x16xi32>,
        %get3A_202 = vector.shape_cast %get3A_201 : vector<1x16xi32> to vector<16xi32>
        %shift_right_arithmetic3A_203 = arith.constant 7 : i32
        %shift_right_arithmetic3A_204 = vector.broadcast %shift_right_arithmetic3A_203 : i32 to vector<16xi32>
        %shift_right_arithmetic3A_205 = arith.shrsi %get3A_202, %shift_right_arithmetic3A_204 : vector<16xi32>
        %mul3A_206 = arith.constant 65536 : i32
        %mul3A_207 = vector.broadcast %mul3A_206 : i32 to vector<16xi32>
        %mul3A_208 = arith.muli %shift_right_arithmetic3A_205, %mul3A_207 : vector<16xi32>
        %get3A_209 = arith.index_cast %scan3A_68 : i32 to index
        %get3A_210 = arith.constant 80 : index
        %get3A_211 = tpu.vector_load %arg10[%get3A_209, %get3A_210] {strides = array<i32>} : memref<32x128xi32, #tpu.memory_space<vmem>>, vector<1x16xi32>,
        %get3A_212 = vector.shape_cast %get3A_211 : vector<1x16xi32> to vector<16xi32>
        %shift_left3A_213 = arith.constant 7 : i32
        %shift_left3A_214 = vector.broadcast %shift_left3A_213 : i32 to vector<16xi32>
        %shift_left3A_215 = arith.shli %get3A_212, %shift_left3A_214 : vector<16xi32>
        %add3A_216 = arith.addi %mul3A_208, %shift_left3A_215 : vector<16xi32>
        %and3A_217 = arith.constant 127 : i32
        %and3A_218 = vector.broadcast %and3A_217 : i32 to vector<16xi32>
        %and3A_219 = arith.andi %get3A_202, %and3A_218 : vector<16xi32>
        %add3A_220 = arith.addi %add3A_216, %and3A_219 : vector<16xi32>
        %swap3A_221 = arith.index_cast %scan3A_68 : i32 to index
        %swap3A_222 = arith.constant 80 : index
        %swap3A_223 = tpu.vector_load %arg13[%swap3A_221, %swap3A_222] {strides = array<i32>} : memref<32x128xi32, #tpu.memory_space<vmem>>, vector<1x16xi32>,
        %swap3A_224 = vector.shape_cast %swap3A_223 : vector<1x16xi32> to vector<16xi32>
        %swap3A_225 = vector.shape_cast %add3A_220 : vector<16xi32> to vector<1x16xi32>
        tpu.vector_store %arg13[%swap3A_221, %swap3A_222], %swap3A_225 {strides = array<i32>} : memref<32x128xi32, #tpu.memory_space<vmem>>, vector<1x16xi32>,
        %get3A_226 = arith.index_cast %scan3A_68 : i32 to index
        %get3A_227 = arith.constant 96 : index
        %get3A_228 = tpu.vector_load %arg11[%get3A_226, %get3A_227] {strides = array<i32>} : memref<32x128xi32, #tpu.memory_space<vmem>>, vector<1x16xi32>,
        %get3A_229 = vector.shape_cast %get3A_228 : vector<1x16xi32> to vector<16xi32>
        %shift_right_arithmetic3A_230 = arith.constant 7 : i32
        %shift_right_arithmetic3A_231 = vector.broadcast %shift_right_arithmetic3A_230 : i32 to vector<16xi32>
        %shift_right_arithmetic3A_232 = arith.shrsi %get3A_229, %shift_right_arithmetic3A_231 : vector<16xi32>
        %mul3A_233 = arith.constant 65536 : i32
        %mul3A_234 = vector.broadcast %mul3A_233 : i32 to vector<16xi32>
        %mul3A_235 = arith.muli %shift_right_arithmetic3A_232, %mul3A_234 : vector<16xi32>
        %get3A_236 = arith.index_cast %scan3A_68 : i32 to index
        %get3A_237 = arith.constant 96 : index
        %get3A_238 = tpu.vector_load %arg10[%get3A_236, %get3A_237] {strides = array<i32>} : memref<32x128xi32, #tpu.memory_space<vmem>>, vector<1x16xi32>,
        %get3A_239 = vector.shape_cast %get3A_238 : vector<1x16xi32> to vector<16xi32>
        %shift_left3A_240 = arith.constant 7 : i32
        %shift_left3A_241 = vector.broadcast %shift_left3A_240 : i32 to vector<16xi32>
        %shift_left3A_242 = arith.shli %get3A_239, %shift_left3A_241 : vector<16xi32>
        %add3A_243 = arith.addi %mul3A_235, %shift_left3A_242 : vector<16xi32>
        %and3A_244 = arith.constant 127 : i32
        %and3A_245 = vector.broadcast %and3A_244 : i32 to vector<16xi32>
        %and3A_246 = arith.andi %get3A_229, %and3A_245 : vector<16xi32>
        %add3A_247 = arith.addi %add3A_243, %and3A_246 : vector<16xi32>
        %swap3A_248 = arith.index_cast %scan3A_68 : i32 to index
        %swap3A_249 = arith.constant 96 : index
        %swap3A_250 = tpu.vector_load %arg13[%swap3A_248, %swap3A_249] {strides = array<i32>} : memref<32x128xi32, #tpu.memory_space<vmem>>, vector<1x16xi32>,
        %swap3A_251 = vector.shape_cast %swap3A_250 : vector<1x16xi32> to vector<16xi32>
        %swap3A_252 = vector.shape_cast %add3A_247 : vector<16xi32> to vector<1x16xi32>
        tpu.vector_store %arg13[%swap3A_248, %swap3A_249], %swap3A_252 {strides = array<i32>} : memref<32x128xi32, #tpu.memory_space<vmem>>, vector<1x16xi32>,
        %get3A_253 = arith.index_cast %scan3A_68 : i32 to index
        %get3A_254 = arith.constant 112 : index
        %get3A_255 = tpu.vector_load %arg11[%get3A_253, %get3A_254] {strides = array<i32>} : memref<32x128xi32, #tpu.memory_space<vmem>>, vector<1x16xi32>,
        %get3A_256 = vector.shape_cast %get3A_255 : vector<1x16xi32> to vector<16xi32>
        %shift_right_arithmetic3A_257 = arith.constant 7 : i32
        %shift_right_arithmetic3A_258 = vector.broadcast %shift_right_arithmetic3A_257 : i32 to vector<16xi32>
        %shift_right_arithmetic3A_259 = arith.shrsi %get3A_256, %shift_right_arithmetic3A_258 : vector<16xi32>
        %mul3A_260 = arith.constant 65536 : i32
        %mul3A_261 = vector.broadcast %mul3A_260 : i32 to vector<16xi32>
        %mul3A_262 = arith.muli %shift_right_arithmetic3A_259, %mul3A_261 : vector<16xi32>
        %get3A_263 = arith.index_cast %scan3A_68 : i32 to index
        %get3A_264 = arith.constant 112 : index
        %get3A_265 = tpu.vector_load %arg10[%get3A_263, %get3A_264] {strides = array<i32>} : memref<32x128xi32, #tpu.memory_space<vmem>>, vector<1x16xi32>,
        %get3A_266 = vector.shape_cast %get3A_265 : vector<1x16xi32> to vector<16xi32>
        %shift_left3A_267 = arith.constant 7 : i32
        %shift_left3A_268 = vector.broadcast %shift_left3A_267 : i32 to vector<16xi32>
        %shift_left3A_269 = arith.shli %get3A_266, %shift_left3A_268 : vector<16xi32>
        %add3A_270 = arith.addi %mul3A_262, %shift_left3A_269 : vector<16xi32>
        %and3A_271 = arith.constant 127 : i32
        %and3A_272 = vector.broadcast %and3A_271 : i32 to vector<16xi32>
        %and3A_273 = arith.andi %get3A_256, %and3A_272 : vector<16xi32>
        %add3A_274 = arith.addi %add3A_270, %and3A_273 : vector<16xi32>
        %swap3A_275 = arith.index_cast %scan3A_68 : i32 to index
        %swap3A_276 = arith.constant 112 : index
        %swap3A_277 = tpu.vector_load %arg13[%swap3A_275, %swap3A_276] {strides = array<i32>} : memref<32x128xi32, #tpu.memory_space<vmem>>, vector<1x16xi32>,
        %swap3A_278 = vector.shape_cast %swap3A_277 : vector<1x16xi32> to vector<16xi32>
        %swap3A_279 = vector.shape_cast %add3A_274 : vector<16xi32> to vector<1x16xi32>
        tpu.vector_store %arg13[%swap3A_275, %swap3A_276], %swap3A_279 {strides = array<i32>} : memref<32x128xi32, #tpu.memory_space<vmem>>, vector<1x16xi32>,
        %scan3A_280 = arith.constant 0 : i32
        scf.yield %scan3A_280 : i32
      }
      %scan3A_51 = arith.constant 32 : i32
      %dma_wait3A_52 = tpu.memref_slice %arg15[%mul3A_26] : memref<524288xf32, #tpu.memory_space<vmem_shared>> -> memref<32768xf32, #tpu.memory_space<vmem_shared>>
      %dma_wait3A_53 = tpu.memref_slice %arg8[%mul3A_26] : memref<524288xf32, #tpu.memory_space<hbm>> -> memref<32768xf32, #tpu.memory_space<hbm>>
      tpu.wait_dma2 semaphore(%arg17 : memref<!tpu.dma_semaphore, #tpu.memory_space<semaphore_mem>>) src(%dma_wait3A_53 : memref<32768xf32, #tpu.memory_space<hbm>>) dst(%dma_wait3A_52 : memref<32768xf32, #tpu.memory_space<vmem_shared>>)
      %barrier3A = arith.constant 0 : index
      tpu.barrier barrier_id(%barrier3A)
      %scan3A_54 = arith.constant 0 : i32
      %scan3A_55 = arith.constant 0 : i32
      %scan3A_56 = arith.constant 32 : i32
      %scan3A_57 = arith.addi %scan3A_55, %scan3A_56 : i32
      %scan3A_58 = arith.constant 1 : i32
      %scan3A_59 = scf.for %scan3A_68 = %scan3A_55 to %scan3A_57 step %scan3A_58 iter_args(%scan3A_69 = %scan3A_54) -> (i32)  : i32 {
        %dma_start3A_70 = arith.constant 0 : i32
        %dma_start3A_71 = tpu.memref_slice %arg12[%scan3A_68, %dma_start3A_70] : memref<32x128xf32, #tpu.memory_space<vmem>> -> memref<1x128xf32, #tpu.memory_space<vmem>>
        %dma_start3A_72 = tpu.memref_squeeze %dma_start3A_71 : memref<1x128xf32, #tpu.memory_space<vmem>> -> memref<128xf32, #tpu.memory_space<vmem>>
        %dma_start3A_73 = arith.constant 0 : i32
        %dma_start3A_74 = tpu.memref_slice %arg13[%scan3A_68, %dma_start3A_73] : memref<32x128xi32, #tpu.memory_space<vmem>> -> memref<1x128xi32, #tpu.memory_space<vmem>>
        %dma_start3A_75 = tpu.memref_squeeze %dma_start3A_74 : memref<1x128xi32, #tpu.memory_space<vmem>> -> memref<128xi32, #tpu.memory_space<vmem>>
        %dma_start3A_76 = arith.constant 0 : i32
        %dma_start3A_77 = tpu.memref_slice %arg15[%dma_start3A_76] : memref<524288xf32, #tpu.memory_space<vmem_shared>> -> memref<524288xf32, #tpu.memory_space<vmem_shared>>
        tpu.enqueue_indirect_dma source(%dma_start3A_72 : memref<128xf32, #tpu.memory_space<vmem>>) target(%dma_start3A_77 : memref<524288xf32, #tpu.memory_space<vmem_shared>>) offsets(%dma_start3A_75 : memref<128xi32, #tpu.memory_space<vmem>>) semaphore(%arg18 : memref<!tpu.dma_semaphore, #tpu.memory_space<semaphore_mem>>) {add = true}
        %scan3A_78 = arith.constant 0 : i32
        scf.yield %scan3A_78 : i32
      }
      %scan3A_60 = arith.constant 32 : i32
      %dma_wait3A_61 = arith.constant 0 : i32
      %dma_wait3A_62 = arith.constant 0 : i32
      %dma_wait3A_63 = tpu.memref_slice %arg4[%dma_wait3A_61, %dma_wait3A_62] : memref<512x128xf32, #tpu.memory_space<hbm>> -> memref<32x128xf32, #tpu.memory_space<hbm>>
      %dma_wait3A_64 = arith.constant 0 : i32
      %dma_wait3A_65 = arith.constant 0 : i32
      %dma_wait3A_66 = tpu.memref_slice %arg4[%dma_wait3A_64, %dma_wait3A_65] : memref<512x128xf32, #tpu.memory_space<hbm>> -> memref<32x128xf32, #tpu.memory_space<hbm>>
      tpu.wait_dma2 semaphore(%arg18 : memref<!tpu.dma_semaphore, #tpu.memory_space<semaphore_mem>>) src(%dma_wait3A_66 : memref<32x128xf32, #tpu.memory_space<hbm>>) dst(%arg12 : memref<32x128xf32, #tpu.memory_space<vmem>>)
      %barrier3A_67 = arith.constant 0 : index
      tpu.barrier barrier_id(%barrier3A_67)
      "tpu.region"() ({
        %run_scoped3A = tpu.sem_alloc : memref<!tpu.dma_semaphore, #tpu.memory_space<semaphore_mem>>
        %dma_start3A_68 = tpu.memref_slice %arg8[%mul3A_26] : memref<524288xf32, #tpu.memory_space<hbm>> -> memref<32768xf32, #tpu.memory_space<hbm>>
        %dma_start3A_69 = tpu.memref_slice %arg15[%mul3A_26] : memref<524288xf32, #tpu.memory_space<vmem_shared>> -> memref<32768xf32, #tpu.memory_space<vmem_shared>>
        tpu.enqueue_dma source(%dma_start3A_69 : memref<32768xf32, #tpu.memory_space<vmem_shared>>) target(%dma_start3A_68 : memref<32768xf32, #tpu.memory_space<hbm>>) target_semaphore(%run_scoped3A : memref<!tpu.dma_semaphore, #tpu.memory_space<semaphore_mem>>)
        %dma_wait3A_70 = tpu.memref_slice %arg8[%mul3A_26] : memref<524288xf32, #tpu.memory_space<hbm>> -> memref<32768xf32, #tpu.memory_space<hbm>>
        %dma_wait3A_71 = tpu.memref_slice %arg15[%mul3A_26] : memref<524288xf32, #tpu.memory_space<vmem_shared>> -> memref<32768xf32, #tpu.memory_space<vmem_shared>>
        tpu.wait_dma2 semaphore(%run_scoped3A : memref<!tpu.dma_semaphore, #tpu.memory_space<semaphore_mem>>) src(%dma_wait3A_71 : memref<32768xf32, #tpu.memory_space<vmem_shared>>) dst(%dma_wait3A_70 : memref<32768xf32, #tpu.memory_space<hbm>>)
        tpu.yield
      }) : () -> ()
    } else {
    }
    %eq3A_8 = arith.constant 1 : i32
    %eq3A_9 = arith.cmpi eq, %arg0, %eq3A_8 : i32
    %convert_element_type3A_10 = arith.extui %eq3A_9 : i1 to i32
    %cond3A_11 = arith.constant 0 : i32
    %cond3A_12 = arith.cmpi ne, %convert_element_type3A_10, %cond3A_11 : i32
    scf.if %cond3A_12 {
      %mul3A = arith.constant 32 : i32
      %mul3A_13 = arith.muli %arg1, %mul3A : i32
      %dma_start3A = arith.constant 0 : i32
      %dma_start3A_14 = tpu.memref_slice %arg5[%mul3A_13, %dma_start3A] : memref<512x128xi32, #tpu.memory_space<hbm>> -> memref<32x128xi32, #tpu.memory_space<hbm>>
      %dma_start3A_15 = arith.constant 0 : i32
      %dma_start3A_16 = tpu.memref_slice %arg5[%mul3A_13, %dma_start3A_15] : memref<512x128xi32, #tpu.memory_space<hbm>> -> memref<32x128xi32, #tpu.memory_space<hbm>>
      tpu.enqueue_dma source(%dma_start3A_16 : memref<32x128xi32, #tpu.memory_space<hbm>>) target(%arg10 : memref<32x128xi32, #tpu.memory_space<vmem>>) target_semaphore(%arg16 : memref<!tpu.dma_semaphore, #tpu.memory_space<semaphore_mem>>)
      %dma_start3A_17 = arith.constant 0 : i32
      %dma_start3A_18 = tpu.memref_slice %arg6[%mul3A_13, %dma_start3A_17] : memref<512x128xi32, #tpu.memory_space<hbm>> -> memref<32x128xi32, #tpu.memory_space<hbm>>
      %dma_start3A_19 = arith.constant 0 : i32
      %dma_start3A_20 = tpu.memref_slice %arg6[%mul3A_13, %dma_start3A_19] : memref<512x128xi32, #tpu.memory_space<hbm>> -> memref<32x128xi32, #tpu.memory_space<hbm>>
      tpu.enqueue_dma source(%dma_start3A_20 : memref<32x128xi32, #tpu.memory_space<hbm>>) target(%arg11 : memref<32x128xi32, #tpu.memory_space<vmem>>) target_semaphore(%arg16 : memref<!tpu.dma_semaphore, #tpu.memory_space<semaphore_mem>>)
      %dma_start3A_21 = arith.constant 0 : i32
      %dma_start3A_22 = tpu.memref_slice %arg7[%mul3A_13, %dma_start3A_21] : memref<512x128xf32, #tpu.memory_space<hbm>> -> memref<32x128xf32, #tpu.memory_space<hbm>>
      %dma_start3A_23 = arith.constant 0 : i32
      %dma_start3A_24 = tpu.memref_slice %arg7[%mul3A_13, %dma_start3A_23] : memref<512x128xf32, #tpu.memory_space<hbm>> -> memref<32x128xf32, #tpu.memory_space<hbm>>
      tpu.enqueue_dma source(%dma_start3A_24 : memref<32x128xf32, #tpu.memory_space<hbm>>) target(%arg12 : memref<32x128xf32, #tpu.memory_space<vmem>>) target_semaphore(%arg16 : memref<!tpu.dma_semaphore, #tpu.memory_space<semaphore_mem>>)
      %mul3A_25 = arith.constant 16384 : i32
      %mul3A_26 = arith.muli %arg1, %mul3A_25 : i32
      %scan3A_27 = arith.constant 0 : i32
      %scan3A_28 = arith.constant 0 : i32
      %scan3A_29 = arith.constant 4 : i32
      %scan3A_30 = arith.addi %scan3A_28, %scan3A_29 : i32
      %scan3A_31 = arith.constant 1 : i32
      %scan3A_32 = scf.for %scan3A_68 = %scan3A_28 to %scan3A_30 step %scan3A_31 iter_args(%scan3A_69 = %scan3A_27) -> (i32)  : i32 {
        %mul3A_70 = arith.constant 4096 : i32
        %mul3A_71 = arith.muli %scan3A_68, %mul3A_70 : i32
        %add3A = arith.addi %mul3A_26, %mul3A_71 : i32
        %dma_start3A_72 = tpu.memref_slice %arg15[%add3A] : memref<524288xf32, #tpu.memory_space<vmem_shared>> -> memref<4096xf32, #tpu.memory_space<vmem_shared>>
        %dma_start3A_73 = tpu.memref_slice %arg15[%add3A] : memref<524288xf32, #tpu.memory_space<vmem_shared>> -> memref<4096xf32, #tpu.memory_space<vmem_shared>>
        tpu.enqueue_dma source(%arg14 : memref<4096xf32, #tpu.memory_space<vmem>>) target(%dma_start3A_73 : memref<4096xf32, #tpu.memory_space<vmem_shared>>) target_semaphore(%arg17 : memref<!tpu.dma_semaphore, #tpu.memory_space<semaphore_mem>>)
        %scan3A_74 = arith.constant 0 : i32
        scf.yield %scan3A_74 : i32
      }
      %scan3A_33 = arith.constant 4 : i32
      %dma_wait3A = arith.constant 0 : i32
      %dma_wait3A_34 = tpu.memref_slice %arg5[%mul3A_13, %dma_wait3A] : memref<512x128xi32, #tpu.memory_space<hbm>> -> memref<32x128xi32, #tpu.memory_space<hbm>>
      %dma_wait3A_35 = arith.constant 0 : i32
      %dma_wait3A_36 = tpu.memref_slice %arg5[%mul3A_13, %dma_wait3A_35] : memref<512x128xi32, #tpu.memory_space<hbm>> -> memref<32x128xi32, #tpu.memory_space<hbm>>
      tpu.wait_dma2 semaphore(%arg16 : memref<!tpu.dma_semaphore, #tpu.memory_space<semaphore_mem>>) src(%dma_wait3A_36 : memref<32x128xi32, #tpu.memory_space<hbm>>) dst(%arg10 : memref<32x128xi32, #tpu.memory_space<vmem>>)
      %dma_wait3A_37 = arith.constant 0 : i32
      %dma_wait3A_38 = tpu.memref_slice %arg6[%mul3A_13, %dma_wait3A_37] : memref<512x128xi32, #tpu.memory_space<hbm>> -> memref<32x128xi32, #tpu.memory_space<hbm>>
      %dma_wait3A_39 = arith.constant 0 : i32
      %dma_wait3A_40 = tpu.memref_slice %arg6[%mul3A_13, %dma_wait3A_39] : memref<512x128xi32, #tpu.memory_space<hbm>> -> memref<32x128xi32, #tpu.memory_space<hbm>>
      tpu.wait_dma2 semaphore(%arg16 : memref<!tpu.dma_semaphore, #tpu.memory_space<semaphore_mem>>) src(%dma_wait3A_40 : memref<32x128xi32, #tpu.memory_space<hbm>>) dst(%arg11 : memref<32x128xi32, #tpu.memory_space<vmem>>)
      %dma_wait3A_41 = arith.constant 0 : i32
      %dma_wait3A_42 = tpu.memref_slice %arg7[%mul3A_13, %dma_wait3A_41] : memref<512x128xf32, #tpu.memory_space<hbm>> -> memref<32x128xf32, #tpu.memory_space<hbm>>
      %dma_wait3A_43 = arith.constant 0 : i32
      %dma_wait3A_44 = tpu.memref_slice %arg7[%mul3A_13, %dma_wait3A_43] : memref<512x128xf32, #tpu.memory_space<hbm>> -> memref<32x128xf32, #tpu.memory_space<hbm>>
      tpu.wait_dma2 semaphore(%arg16 : memref<!tpu.dma_semaphore, #tpu.memory_space<semaphore_mem>>) src(%dma_wait3A_44 : memref<32x128xf32, #tpu.memory_space<hbm>>) dst(%arg12 : memref<32x128xf32, #tpu.memory_space<vmem>>)
      %scan3A_45 = arith.constant 0 : i32
      %scan3A_46 = arith.constant 0 : i32
      %scan3A_47 = arith.constant 32 : i32
      %scan3A_48 = arith.addi %scan3A_46, %scan3A_47 : i32
      %scan3A_49 = arith.constant 1 : i32
      %scan3A_50 = scf.for %scan3A_68 = %scan3A_46 to %scan3A_48 step %scan3A_49 iter_args(%scan3A_69 = %scan3A_45) -> (i32)  : i32 {
        %get3A = arith.index_cast %scan3A_68 : i32 to index
        %get3A_70 = arith.constant 0 : index
        %get3A_71 = tpu.vector_load %arg11[%get3A, %get3A_70] {strides = array<i32>} : memref<32x128xi32, #tpu.memory_space<vmem>>, vector<1x16xi32>,
        %get3A_72 = vector.shape_cast %get3A_71 : vector<1x16xi32> to vector<16xi32>
        %shift_right_arithmetic3A = arith.constant 7 : i32
        %shift_right_arithmetic3A_73 = vector.broadcast %shift_right_arithmetic3A : i32 to vector<16xi32>
        %shift_right_arithmetic3A_74 = arith.shrsi %get3A_72, %shift_right_arithmetic3A_73 : vector<16xi32>
        %mul3A_75 = arith.constant 131072 : i32
        %mul3A_76 = vector.broadcast %mul3A_75 : i32 to vector<16xi32>
        %mul3A_77 = arith.muli %shift_right_arithmetic3A_74, %mul3A_76 : vector<16xi32>
        %get3A_78 = arith.index_cast %scan3A_68 : i32 to index
        %get3A_79 = arith.constant 0 : index
        %get3A_80 = tpu.vector_load %arg10[%get3A_78, %get3A_79] {strides = array<i32>} : memref<32x128xi32, #tpu.memory_space<vmem>>, vector<1x16xi32>,
        %get3A_81 = vector.shape_cast %get3A_80 : vector<1x16xi32> to vector<16xi32>
        %shift_left3A = arith.constant 7 : i32
        %shift_left3A_82 = vector.broadcast %shift_left3A : i32 to vector<16xi32>
        %shift_left3A_83 = arith.shli %get3A_81, %shift_left3A_82 : vector<16xi32>
        %add3A = arith.addi %mul3A_77, %shift_left3A_83 : vector<16xi32>
        %and3A = arith.constant 127 : i32
        %and3A_84 = vector.broadcast %and3A : i32 to vector<16xi32>
        %and3A_85 = arith.andi %get3A_72, %and3A_84 : vector<16xi32>
        %add3A_86 = arith.addi %add3A, %and3A_85 : vector<16xi32>
        %swap3A = arith.index_cast %scan3A_68 : i32 to index
        %swap3A_87 = arith.constant 0 : index
        %swap3A_88 = tpu.vector_load %arg13[%swap3A, %swap3A_87] {strides = array<i32>} : memref<32x128xi32, #tpu.memory_space<vmem>>, vector<1x16xi32>,
        %swap3A_89 = vector.shape_cast %swap3A_88 : vector<1x16xi32> to vector<16xi32>
        %swap3A_90 = vector.shape_cast %add3A_86 : vector<16xi32> to vector<1x16xi32>
        tpu.vector_store %arg13[%swap3A, %swap3A_87], %swap3A_90 {strides = array<i32>} : memref<32x128xi32, #tpu.memory_space<vmem>>, vector<1x16xi32>,
        %get3A_91 = arith.index_cast %scan3A_68 : i32 to index
        %get3A_92 = arith.constant 16 : index
        %get3A_93 = tpu.vector_load %arg11[%get3A_91, %get3A_92] {strides = array<i32>} : memref<32x128xi32, #tpu.memory_space<vmem>>, vector<1x16xi32>,
        %get3A_94 = vector.shape_cast %get3A_93 : vector<1x16xi32> to vector<16xi32>
        %shift_right_arithmetic3A_95 = arith.constant 7 : i32
        %shift_right_arithmetic3A_96 = vector.broadcast %shift_right_arithmetic3A_95 : i32 to vector<16xi32>
        %shift_right_arithmetic3A_97 = arith.shrsi %get3A_94, %shift_right_arithmetic3A_96 : vector<16xi32>
        %mul3A_98 = arith.constant 131072 : i32
        %mul3A_99 = vector.broadcast %mul3A_98 : i32 to vector<16xi32>
        %mul3A_100 = arith.muli %shift_right_arithmetic3A_97, %mul3A_99 : vector<16xi32>
        %get3A_101 = arith.index_cast %scan3A_68 : i32 to index
        %get3A_102 = arith.constant 16 : index
        %get3A_103 = tpu.vector_load %arg10[%get3A_101, %get3A_102] {strides = array<i32>} : memref<32x128xi32, #tpu.memory_space<vmem>>, vector<1x16xi32>,
        %get3A_104 = vector.shape_cast %get3A_103 : vector<1x16xi32> to vector<16xi32>
        %shift_left3A_105 = arith.constant 7 : i32
        %shift_left3A_106 = vector.broadcast %shift_left3A_105 : i32 to vector<16xi32>
        %shift_left3A_107 = arith.shli %get3A_104, %shift_left3A_106 : vector<16xi32>
        %add3A_108 = arith.addi %mul3A_100, %shift_left3A_107 : vector<16xi32>
        %and3A_109 = arith.constant 127 : i32
        %and3A_110 = vector.broadcast %and3A_109 : i32 to vector<16xi32>
        %and3A_111 = arith.andi %get3A_94, %and3A_110 : vector<16xi32>
        %add3A_112 = arith.addi %add3A_108, %and3A_111 : vector<16xi32>
        %swap3A_113 = arith.index_cast %scan3A_68 : i32 to index
        %swap3A_114 = arith.constant 16 : index
        %swap3A_115 = tpu.vector_load %arg13[%swap3A_113, %swap3A_114] {strides = array<i32>} : memref<32x128xi32, #tpu.memory_space<vmem>>, vector<1x16xi32>,
        %swap3A_116 = vector.shape_cast %swap3A_115 : vector<1x16xi32> to vector<16xi32>
        %swap3A_117 = vector.shape_cast %add3A_112 : vector<16xi32> to vector<1x16xi32>
        tpu.vector_store %arg13[%swap3A_113, %swap3A_114], %swap3A_117 {strides = array<i32>} : memref<32x128xi32, #tpu.memory_space<vmem>>, vector<1x16xi32>,
        %get3A_118 = arith.index_cast %scan3A_68 : i32 to index
        %get3A_119 = arith.constant 32 : index
        %get3A_120 = tpu.vector_load %arg11[%get3A_118, %get3A_119] {strides = array<i32>} : memref<32x128xi32, #tpu.memory_space<vmem>>, vector<1x16xi32>,
        %get3A_121 = vector.shape_cast %get3A_120 : vector<1x16xi32> to vector<16xi32>
        %shift_right_arithmetic3A_122 = arith.constant 7 : i32
        %shift_right_arithmetic3A_123 = vector.broadcast %shift_right_arithmetic3A_122 : i32 to vector<16xi32>
        %shift_right_arithmetic3A_124 = arith.shrsi %get3A_121, %shift_right_arithmetic3A_123 : vector<16xi32>
        %mul3A_125 = arith.constant 131072 : i32
        %mul3A_126 = vector.broadcast %mul3A_125 : i32 to vector<16xi32>
        %mul3A_127 = arith.muli %shift_right_arithmetic3A_124, %mul3A_126 : vector<16xi32>
        %get3A_128 = arith.index_cast %scan3A_68 : i32 to index
        %get3A_129 = arith.constant 32 : index
        %get3A_130 = tpu.vector_load %arg10[%get3A_128, %get3A_129] {strides = array<i32>} : memref<32x128xi32, #tpu.memory_space<vmem>>, vector<1x16xi32>,
        %get3A_131 = vector.shape_cast %get3A_130 : vector<1x16xi32> to vector<16xi32>
        %shift_left3A_132 = arith.constant 7 : i32
        %shift_left3A_133 = vector.broadcast %shift_left3A_132 : i32 to vector<16xi32>
        %shift_left3A_134 = arith.shli %get3A_131, %shift_left3A_133 : vector<16xi32>
        %add3A_135 = arith.addi %mul3A_127, %shift_left3A_134 : vector<16xi32>
        %and3A_136 = arith.constant 127 : i32
        %and3A_137 = vector.broadcast %and3A_136 : i32 to vector<16xi32>
        %and3A_138 = arith.andi %get3A_121, %and3A_137 : vector<16xi32>
        %add3A_139 = arith.addi %add3A_135, %and3A_138 : vector<16xi32>
        %swap3A_140 = arith.index_cast %scan3A_68 : i32 to index
        %swap3A_141 = arith.constant 32 : index
        %swap3A_142 = tpu.vector_load %arg13[%swap3A_140, %swap3A_141] {strides = array<i32>} : memref<32x128xi32, #tpu.memory_space<vmem>>, vector<1x16xi32>,
        %swap3A_143 = vector.shape_cast %swap3A_142 : vector<1x16xi32> to vector<16xi32>
        %swap3A_144 = vector.shape_cast %add3A_139 : vector<16xi32> to vector<1x16xi32>
        tpu.vector_store %arg13[%swap3A_140, %swap3A_141], %swap3A_144 {strides = array<i32>} : memref<32x128xi32, #tpu.memory_space<vmem>>, vector<1x16xi32>,
        %get3A_145 = arith.index_cast %scan3A_68 : i32 to index
        %get3A_146 = arith.constant 48 : index
        %get3A_147 = tpu.vector_load %arg11[%get3A_145, %get3A_146] {strides = array<i32>} : memref<32x128xi32, #tpu.memory_space<vmem>>, vector<1x16xi32>,
        %get3A_148 = vector.shape_cast %get3A_147 : vector<1x16xi32> to vector<16xi32>
        %shift_right_arithmetic3A_149 = arith.constant 7 : i32
        %shift_right_arithmetic3A_150 = vector.broadcast %shift_right_arithmetic3A_149 : i32 to vector<16xi32>
        %shift_right_arithmetic3A_151 = arith.shrsi %get3A_148, %shift_right_arithmetic3A_150 : vector<16xi32>
        %mul3A_152 = arith.constant 131072 : i32
        %mul3A_153 = vector.broadcast %mul3A_152 : i32 to vector<16xi32>
        %mul3A_154 = arith.muli %shift_right_arithmetic3A_151, %mul3A_153 : vector<16xi32>
        %get3A_155 = arith.index_cast %scan3A_68 : i32 to index
        %get3A_156 = arith.constant 48 : index
        %get3A_157 = tpu.vector_load %arg10[%get3A_155, %get3A_156] {strides = array<i32>} : memref<32x128xi32, #tpu.memory_space<vmem>>, vector<1x16xi32>,
        %get3A_158 = vector.shape_cast %get3A_157 : vector<1x16xi32> to vector<16xi32>
        %shift_left3A_159 = arith.constant 7 : i32
        %shift_left3A_160 = vector.broadcast %shift_left3A_159 : i32 to vector<16xi32>
        %shift_left3A_161 = arith.shli %get3A_158, %shift_left3A_160 : vector<16xi32>
        %add3A_162 = arith.addi %mul3A_154, %shift_left3A_161 : vector<16xi32>
        %and3A_163 = arith.constant 127 : i32
        %and3A_164 = vector.broadcast %and3A_163 : i32 to vector<16xi32>
        %and3A_165 = arith.andi %get3A_148, %and3A_164 : vector<16xi32>
        %add3A_166 = arith.addi %add3A_162, %and3A_165 : vector<16xi32>
        %swap3A_167 = arith.index_cast %scan3A_68 : i32 to index
        %swap3A_168 = arith.constant 48 : index
        %swap3A_169 = tpu.vector_load %arg13[%swap3A_167, %swap3A_168] {strides = array<i32>} : memref<32x128xi32, #tpu.memory_space<vmem>>, vector<1x16xi32>,
        %swap3A_170 = vector.shape_cast %swap3A_169 : vector<1x16xi32> to vector<16xi32>
        %swap3A_171 = vector.shape_cast %add3A_166 : vector<16xi32> to vector<1x16xi32>
        tpu.vector_store %arg13[%swap3A_167, %swap3A_168], %swap3A_171 {strides = array<i32>} : memref<32x128xi32, #tpu.memory_space<vmem>>, vector<1x16xi32>,
        %get3A_172 = arith.index_cast %scan3A_68 : i32 to index
        %get3A_173 = arith.constant 64 : index
        %get3A_174 = tpu.vector_load %arg11[%get3A_172, %get3A_173] {strides = array<i32>} : memref<32x128xi32, #tpu.memory_space<vmem>>, vector<1x16xi32>,
        %get3A_175 = vector.shape_cast %get3A_174 : vector<1x16xi32> to vector<16xi32>
        %shift_right_arithmetic3A_176 = arith.constant 7 : i32
        %shift_right_arithmetic3A_177 = vector.broadcast %shift_right_arithmetic3A_176 : i32 to vector<16xi32>
        %shift_right_arithmetic3A_178 = arith.shrsi %get3A_175, %shift_right_arithmetic3A_177 : vector<16xi32>
        %mul3A_179 = arith.constant 131072 : i32
        %mul3A_180 = vector.broadcast %mul3A_179 : i32 to vector<16xi32>
        %mul3A_181 = arith.muli %shift_right_arithmetic3A_178, %mul3A_180 : vector<16xi32>
        %get3A_182 = arith.index_cast %scan3A_68 : i32 to index
        %get3A_183 = arith.constant 64 : index
        %get3A_184 = tpu.vector_load %arg10[%get3A_182, %get3A_183] {strides = array<i32>} : memref<32x128xi32, #tpu.memory_space<vmem>>, vector<1x16xi32>,
        %get3A_185 = vector.shape_cast %get3A_184 : vector<1x16xi32> to vector<16xi32>
        %shift_left3A_186 = arith.constant 7 : i32
        %shift_left3A_187 = vector.broadcast %shift_left3A_186 : i32 to vector<16xi32>
        %shift_left3A_188 = arith.shli %get3A_185, %shift_left3A_187 : vector<16xi32>
        %add3A_189 = arith.addi %mul3A_181, %shift_left3A_188 : vector<16xi32>
        %and3A_190 = arith.constant 127 : i32
        %and3A_191 = vector.broadcast %and3A_190 : i32 to vector<16xi32>
        %and3A_192 = arith.andi %get3A_175, %and3A_191 : vector<16xi32>
        %add3A_193 = arith.addi %add3A_189, %and3A_192 : vector<16xi32>
        %swap3A_194 = arith.index_cast %scan3A_68 : i32 to index
        %swap3A_195 = arith.constant 64 : index
        %swap3A_196 = tpu.vector_load %arg13[%swap3A_194, %swap3A_195] {strides = array<i32>} : memref<32x128xi32, #tpu.memory_space<vmem>>, vector<1x16xi32>,
        %swap3A_197 = vector.shape_cast %swap3A_196 : vector<1x16xi32> to vector<16xi32>
        %swap3A_198 = vector.shape_cast %add3A_193 : vector<16xi32> to vector<1x16xi32>
        tpu.vector_store %arg13[%swap3A_194, %swap3A_195], %swap3A_198 {strides = array<i32>} : memref<32x128xi32, #tpu.memory_space<vmem>>, vector<1x16xi32>,
        %get3A_199 = arith.index_cast %scan3A_68 : i32 to index
        %get3A_200 = arith.constant 80 : index
        %get3A_201 = tpu.vector_load %arg11[%get3A_199, %get3A_200] {strides = array<i32>} : memref<32x128xi32, #tpu.memory_space<vmem>>, vector<1x16xi32>,
        %get3A_202 = vector.shape_cast %get3A_201 : vector<1x16xi32> to vector<16xi32>
        %shift_right_arithmetic3A_203 = arith.constant 7 : i32
        %shift_right_arithmetic3A_204 = vector.broadcast %shift_right_arithmetic3A_203 : i32 to vector<16xi32>
        %shift_right_arithmetic3A_205 = arith.shrsi %get3A_202, %shift_right_arithmetic3A_204 : vector<16xi32>
        %mul3A_206 = arith.constant 131072 : i32
        %mul3A_207 = vector.broadcast %mul3A_206 : i32 to vector<16xi32>
        %mul3A_208 = arith.muli %shift_right_arithmetic3A_205, %mul3A_207 : vector<16xi32>
        %get3A_209 = arith.index_cast %scan3A_68 : i32 to index
        %get3A_210 = arith.constant 80 : index
        %get3A_211 = tpu.vector_load %arg10[%get3A_209, %get3A_210] {strides = array<i32>} : memref<32x128xi32, #tpu.memory_space<vmem>>, vector<1x16xi32>,
        %get3A_212 = vector.shape_cast %get3A_211 : vector<1x16xi32> to vector<16xi32>
        %shift_left3A_213 = arith.constant 7 : i32
        %shift_left3A_214 = vector.broadcast %shift_left3A_213 : i32 to vector<16xi32>
        %shift_left3A_215 = arith.shli %get3A_212, %shift_left3A_214 : vector<16xi32>
        %add3A_216 = arith.addi %mul3A_208, %shift_left3A_215 : vector<16xi32>
        %and3A_217 = arith.constant 127 : i32
        %and3A_218 = vector.broadcast %and3A_217 : i32 to vector<16xi32>
        %and3A_219 = arith.andi %get3A_202, %and3A_218 : vector<16xi32>
        %add3A_220 = arith.addi %add3A_216, %and3A_219 : vector<16xi32>
        %swap3A_221 = arith.index_cast %scan3A_68 : i32 to index
        %swap3A_222 = arith.constant 80 : index
        %swap3A_223 = tpu.vector_load %arg13[%swap3A_221, %swap3A_222] {strides = array<i32>} : memref<32x128xi32, #tpu.memory_space<vmem>>, vector<1x16xi32>,
        %swap3A_224 = vector.shape_cast %swap3A_223 : vector<1x16xi32> to vector<16xi32>
        %swap3A_225 = vector.shape_cast %add3A_220 : vector<16xi32> to vector<1x16xi32>
        tpu.vector_store %arg13[%swap3A_221, %swap3A_222], %swap3A_225 {strides = array<i32>} : memref<32x128xi32, #tpu.memory_space<vmem>>, vector<1x16xi32>,
        %get3A_226 = arith.index_cast %scan3A_68 : i32 to index
        %get3A_227 = arith.constant 96 : index
        %get3A_228 = tpu.vector_load %arg11[%get3A_226, %get3A_227] {strides = array<i32>} : memref<32x128xi32, #tpu.memory_space<vmem>>, vector<1x16xi32>,
        %get3A_229 = vector.shape_cast %get3A_228 : vector<1x16xi32> to vector<16xi32>
        %shift_right_arithmetic3A_230 = arith.constant 7 : i32
        %shift_right_arithmetic3A_231 = vector.broadcast %shift_right_arithmetic3A_230 : i32 to vector<16xi32>
        %shift_right_arithmetic3A_232 = arith.shrsi %get3A_229, %shift_right_arithmetic3A_231 : vector<16xi32>
        %mul3A_233 = arith.constant 131072 : i32
        %mul3A_234 = vector.broadcast %mul3A_233 : i32 to vector<16xi32>
        %mul3A_235 = arith.muli %shift_right_arithmetic3A_232, %mul3A_234 : vector<16xi32>
        %get3A_236 = arith.index_cast %scan3A_68 : i32 to index
        %get3A_237 = arith.constant 96 : index
        %get3A_238 = tpu.vector_load %arg10[%get3A_236, %get3A_237] {strides = array<i32>} : memref<32x128xi32, #tpu.memory_space<vmem>>, vector<1x16xi32>,
        %get3A_239 = vector.shape_cast %get3A_238 : vector<1x16xi32> to vector<16xi32>
        %shift_left3A_240 = arith.constant 7 : i32
        %shift_left3A_241 = vector.broadcast %shift_left3A_240 : i32 to vector<16xi32>
        %shift_left3A_242 = arith.shli %get3A_239, %shift_left3A_241 : vector<16xi32>
        %add3A_243 = arith.addi %mul3A_235, %shift_left3A_242 : vector<16xi32>
        %and3A_244 = arith.constant 127 : i32
        %and3A_245 = vector.broadcast %and3A_244 : i32 to vector<16xi32>
        %and3A_246 = arith.andi %get3A_229, %and3A_245 : vector<16xi32>
        %add3A_247 = arith.addi %add3A_243, %and3A_246 : vector<16xi32>
        %swap3A_248 = arith.index_cast %scan3A_68 : i32 to index
        %swap3A_249 = arith.constant 96 : index
        %swap3A_250 = tpu.vector_load %arg13[%swap3A_248, %swap3A_249] {strides = array<i32>} : memref<32x128xi32, #tpu.memory_space<vmem>>, vector<1x16xi32>,
        %swap3A_251 = vector.shape_cast %swap3A_250 : vector<1x16xi32> to vector<16xi32>
        %swap3A_252 = vector.shape_cast %add3A_247 : vector<16xi32> to vector<1x16xi32>
        tpu.vector_store %arg13[%swap3A_248, %swap3A_249], %swap3A_252 {strides = array<i32>} : memref<32x128xi32, #tpu.memory_space<vmem>>, vector<1x16xi32>,
        %get3A_253 = arith.index_cast %scan3A_68 : i32 to index
        %get3A_254 = arith.constant 112 : index
        %get3A_255 = tpu.vector_load %arg11[%get3A_253, %get3A_254] {strides = array<i32>} : memref<32x128xi32, #tpu.memory_space<vmem>>, vector<1x16xi32>,
        %get3A_256 = vector.shape_cast %get3A_255 : vector<1x16xi32> to vector<16xi32>
        %shift_right_arithmetic3A_257 = arith.constant 7 : i32
        %shift_right_arithmetic3A_258 = vector.broadcast %shift_right_arithmetic3A_257 : i32 to vector<16xi32>
        %shift_right_arithmetic3A_259 = arith.shrsi %get3A_256, %shift_right_arithmetic3A_258 : vector<16xi32>
        %mul3A_260 = arith.constant 131072 : i32
        %mul3A_261 = vector.broadcast %mul3A_260 : i32 to vector<16xi32>
        %mul3A_262 = arith.muli %shift_right_arithmetic3A_259, %mul3A_261 : vector<16xi32>
        %get3A_263 = arith.index_cast %scan3A_68 : i32 to index
        %get3A_264 = arith.constant 112 : index
        %get3A_265 = tpu.vector_load %arg10[%get3A_263, %get3A_264] {strides = array<i32>} : memref<32x128xi32, #tpu.memory_space<vmem>>, vector<1x16xi32>,
        %get3A_266 = vector.shape_cast %get3A_265 : vector<1x16xi32> to vector<16xi32>
        %shift_left3A_267 = arith.constant 7 : i32
        %shift_left3A_268 = vector.broadcast %shift_left3A_267 : i32 to vector<16xi32>
        %shift_left3A_269 = arith.shli %get3A_266, %shift_left3A_268 : vector<16xi32>
        %add3A_270 = arith.addi %mul3A_262, %shift_left3A_269 : vector<16xi32>
        %and3A_271 = arith.constant 127 : i32
        %and3A_272 = vector.broadcast %and3A_271 : i32 to vector<16xi32>
        %and3A_273 = arith.andi %get3A_256, %and3A_272 : vector<16xi32>
        %add3A_274 = arith.addi %add3A_270, %and3A_273 : vector<16xi32>
        %swap3A_275 = arith.index_cast %scan3A_68 : i32 to index
        %swap3A_276 = arith.constant 112 : index
        %swap3A_277 = tpu.vector_load %arg13[%swap3A_275, %swap3A_276] {strides = array<i32>} : memref<32x128xi32, #tpu.memory_space<vmem>>, vector<1x16xi32>,
        %swap3A_278 = vector.shape_cast %swap3A_277 : vector<1x16xi32> to vector<16xi32>
        %swap3A_279 = vector.shape_cast %add3A_274 : vector<16xi32> to vector<1x16xi32>
        tpu.vector_store %arg13[%swap3A_275, %swap3A_276], %swap3A_279 {strides = array<i32>} : memref<32x128xi32, #tpu.memory_space<vmem>>, vector<1x16xi32>,
        %scan3A_280 = arith.constant 0 : i32
        scf.yield %scan3A_280 : i32
      }
      %scan3A_51 = arith.constant 32 : i32
      %dma_wait3A_52 = tpu.memref_slice %arg15[%mul3A_26] : memref<524288xf32, #tpu.memory_space<vmem_shared>> -> memref<16384xf32, #tpu.memory_space<vmem_shared>>
      %dma_wait3A_53 = tpu.memref_slice %arg9[%mul3A_26] : memref<262144xf32, #tpu.memory_space<hbm>> -> memref<16384xf32, #tpu.memory_space<hbm>>
      tpu.wait_dma2 semaphore(%arg17 : memref<!tpu.dma_semaphore, #tpu.memory_space<semaphore_mem>>) src(%dma_wait3A_53 : memref<16384xf32, #tpu.memory_space<hbm>>) dst(%dma_wait3A_52 : memref<16384xf32, #tpu.memory_space<vmem_shared>>)
      %barrier3A = arith.constant 0 : index
      tpu.barrier barrier_id(%barrier3A)
      %scan3A_54 = arith.constant 0 : i32
      %scan3A_55 = arith.constant 0 : i32
      %scan3A_56 = arith.constant 32 : i32
      %scan3A_57 = arith.addi %scan3A_55, %scan3A_56 : i32
      %scan3A_58 = arith.constant 1 : i32
      %scan3A_59 = scf.for %scan3A_68 = %scan3A_55 to %scan3A_57 step %scan3A_58 iter_args(%scan3A_69 = %scan3A_54) -> (i32)  : i32 {
        %dma_start3A_70 = arith.constant 0 : i32
        %dma_start3A_71 = tpu.memref_slice %arg12[%scan3A_68, %dma_start3A_70] : memref<32x128xf32, #tpu.memory_space<vmem>> -> memref<1x128xf32, #tpu.memory_space<vmem>>
        %dma_start3A_72 = tpu.memref_squeeze %dma_start3A_71 : memref<1x128xf32, #tpu.memory_space<vmem>> -> memref<128xf32, #tpu.memory_space<vmem>>
        %dma_start3A_73 = arith.constant 0 : i32
        %dma_start3A_74 = tpu.memref_slice %arg13[%scan3A_68, %dma_start3A_73] : memref<32x128xi32, #tpu.memory_space<vmem>> -> memref<1x128xi32, #tpu.memory_space<vmem>>
        %dma_start3A_75 = tpu.memref_squeeze %dma_start3A_74 : memref<1x128xi32, #tpu.memory_space<vmem>> -> memref<128xi32, #tpu.memory_space<vmem>>
        %dma_start3A_76 = arith.constant 0 : i32
        %dma_start3A_77 = tpu.memref_slice %arg15[%dma_start3A_76] : memref<524288xf32, #tpu.memory_space<vmem_shared>> -> memref<524288xf32, #tpu.memory_space<vmem_shared>>
        tpu.enqueue_indirect_dma source(%dma_start3A_72 : memref<128xf32, #tpu.memory_space<vmem>>) target(%dma_start3A_77 : memref<524288xf32, #tpu.memory_space<vmem_shared>>) offsets(%dma_start3A_75 : memref<128xi32, #tpu.memory_space<vmem>>) semaphore(%arg18 : memref<!tpu.dma_semaphore, #tpu.memory_space<semaphore_mem>>) {add = true}
        %scan3A_78 = arith.constant 0 : i32
        scf.yield %scan3A_78 : i32
      }
      %scan3A_60 = arith.constant 32 : i32
      %dma_wait3A_61 = arith.constant 0 : i32
      %dma_wait3A_62 = arith.constant 0 : i32
      %dma_wait3A_63 = tpu.memref_slice %arg7[%dma_wait3A_61, %dma_wait3A_62] : memref<512x128xf32, #tpu.memory_space<hbm>> -> memref<32x128xf32, #tpu.memory_space<hbm>>
      %dma_wait3A_64 = arith.constant 0 : i32
      %dma_wait3A_65 = arith.constant 0 : i32
      %dma_wait3A_66 = tpu.memref_slice %arg7[%dma_wait3A_64, %dma_wait3A_65] : memref<512x128xf32, #tpu.memory_space<hbm>> -> memref<32x128xf32, #tpu.memory_space<hbm>>
      tpu.wait_dma2 semaphore(%arg18 : memref<!tpu.dma_semaphore, #tpu.memory_space<semaphore_mem>>) src(%dma_wait3A_66 : memref<32x128xf32, #tpu.memory_space<hbm>>) dst(%arg12 : memref<32x128xf32, #tpu.memory_space<vmem>>)
      %barrier3A_67 = arith.constant 0 : index
      tpu.barrier barrier_id(%barrier3A_67)
      "tpu.region"() ({
        %run_scoped3A = tpu.sem_alloc : memref<!tpu.dma_semaphore, #tpu.memory_space<semaphore_mem>>
        %dma_start3A_68 = tpu.memref_slice %arg9[%mul3A_26] : memref<262144xf32, #tpu.memory_space<hbm>> -> memref<16384xf32, #tpu.memory_space<hbm>>
        %dma_start3A_69 = tpu.memref_slice %arg15[%mul3A_26] : memref<524288xf32, #tpu.memory_space<vmem_shared>> -> memref<16384xf32, #tpu.memory_space<vmem_shared>>
        tpu.enqueue_dma source(%dma_start3A_69 : memref<16384xf32, #tpu.memory_space<vmem_shared>>) target(%dma_start3A_68 : memref<16384xf32, #tpu.memory_space<hbm>>) target_semaphore(%run_scoped3A : memref<!tpu.dma_semaphore, #tpu.memory_space<semaphore_mem>>)
        %dma_wait3A_70 = tpu.memref_slice %arg9[%mul3A_26] : memref<262144xf32, #tpu.memory_space<hbm>> -> memref<16384xf32, #tpu.memory_space<hbm>>
        %dma_wait3A_71 = tpu.memref_slice %arg15[%mul3A_26] : memref<524288xf32, #tpu.memory_space<vmem_shared>> -> memref<16384xf32, #tpu.memory_space<vmem_shared>>
        tpu.wait_dma2 semaphore(%run_scoped3A : memref<!tpu.dma_semaphore, #tpu.memory_space<semaphore_mem>>) src(%dma_wait3A_71 : memref<16384xf32, #tpu.memory_space<vmem_shared>>) dst(%dma_wait3A_70 : memref<16384xf32, #tpu.memory_space<hbm>>)
        tpu.yield
      }) : () -> ()
    } else {
    }
    return
  }
}

module attributes {stable_mosaic.version = 14 : i64} {
  func.func @_mm_body(%arg0: memref<128x512xf32, #tpu.memory_space<vmem>>, %arg1: memref<8x512x128xf32, #tpu.memory_space<vmem>>, %arg2: memref<2x1024x128xf32, #tpu.memory_space<vmem>>, %arg3: memref<128x256xf32, #tpu.memory_space<vmem>>, %arg4: memref<128x1024xf32, #tpu.memory_space<vmem>>) attributes {dimension_semantics = [], scalar_prefetch = 0 : i64, scratch_operands = 1 : i64, tpu.core_type = #tpu.core_type<tc>} {
    %get3A = arith.constant 0 : index
    %get3A_0 = arith.constant 0 : index
    %get3A_1 = vector.load %arg0[%get3A, %get3A_0] : memref<128x512xf32, #tpu.memory_space<vmem>>, vector<128x512xf32>
    %convert_element_type3A = arith.truncf %get3A_1 : vector<128x512xf32> to vector<128x512xbf16>
    %convert_element_type3A_2 = arith.extf %convert_element_type3A : vector<128x512xbf16> to vector<128x512xf32>
    %sub3A = arith.subf %get3A_1, %convert_element_type3A_2 : vector<128x512xf32>
    %convert_element_type3A_3 = arith.truncf %sub3A : vector<128x512xf32> to vector<128x512xbf16>
    %get3A_4 = arith.constant 0 : index
    %get3A_5 = arith.constant 0 : index
    %get3A_6 = arith.constant 0 : index
    %get3A_7 = vector.load %arg1[%get3A_4, %get3A_5, %get3A_6] : memref<8x512x128xf32, #tpu.memory_space<vmem>>, vector<1x512x128xf32>
    %get3A_8 = vector.shape_cast %get3A_7 : vector<1x512x128xf32> to vector<512x128xf32>
    %get3A_9 = arith.constant 1 : index
    %get3A_10 = arith.constant 0 : index
    %get3A_11 = arith.constant 0 : index
    %get3A_12 = vector.load %arg1[%get3A_9, %get3A_10, %get3A_11] : memref<8x512x128xf32, #tpu.memory_space<vmem>>, vector<1x512x128xf32>
    %get3A_13 = vector.shape_cast %get3A_12 : vector<1x512x128xf32> to vector<512x128xf32>
    %concatenate3A = tpu.concatenate %get3A_8, %get3A_13 in 1 : vector<512x128xf32>, vector<512x128xf32> -> vector<512x256xf32>
    %convert_element_type3A_14 = arith.truncf %concatenate3A : vector<512x256xf32> to vector<512x256xbf16>
    %convert_element_type3A_15 = arith.extf %convert_element_type3A_14 : vector<512x256xbf16> to vector<512x256xf32>
    %sub3A_16 = arith.subf %concatenate3A, %convert_element_type3A_15 : vector<512x256xf32>
    %convert_element_type3A_17 = arith.truncf %sub3A_16 : vector<512x256xf32> to vector<512x256xbf16>
    %dot_general3A = arith.constant dense<0.000000e+00> : vector<128x256xf32>
    %dot_general3A_18 = tpu.matmul %convert_element_type3A, %convert_element_type3A_14, %dot_general3A {dimension_numbers = #tpu.dot_dimension_numbers<[1], [0], [0], [1], [0, 0, 1, 1], [], []>, transpose_lhs_hint = false} : vector<128x512xbf16>, vector<512x256xbf16>, vector<128x256xf32> -> vector<128x256xf32>
    %dot_general3A_19 = arith.constant dense<0.000000e+00> : vector<128x256xf32>
    %dot_general3A_20 = tpu.matmul %convert_element_type3A_3, %convert_element_type3A_14, %dot_general3A_19 {dimension_numbers = #tpu.dot_dimension_numbers<[1], [0], [0], [1], [0, 0, 1, 1], [], []>, transpose_lhs_hint = false} : vector<128x512xbf16>, vector<512x256xbf16>, vector<128x256xf32> -> vector<128x256xf32>
    %add3A = arith.addf %dot_general3A_18, %dot_general3A_20 : vector<128x256xf32>
    %dot_general3A_21 = arith.constant dense<0.000000e+00> : vector<128x256xf32>
    %dot_general3A_22 = tpu.matmul %convert_element_type3A, %convert_element_type3A_17, %dot_general3A_21 {dimension_numbers = #tpu.dot_dimension_numbers<[1], [0], [0], [1], [0, 0, 1, 1], [], []>, transpose_lhs_hint = false} : vector<128x512xbf16>, vector<512x256xbf16>, vector<128x256xf32> -> vector<128x256xf32>
    %add3A_23 = arith.addf %add3A, %dot_general3A_22 : vector<128x256xf32>
    %max3A = arith.constant 0.000000e+00 : f32
    %max3A_24 = vector.broadcast %max3A : f32 to vector<128x256xf32>
    %max3A_25 = arith.maximumf %add3A_23, %max3A_24 : vector<128x256xf32>
    %swap3A = arith.constant 0 : index
    %swap3A_26 = arith.constant 0 : index
    %swap3A_27 = vector.load %arg4[%swap3A, %swap3A_26] : memref<128x1024xf32, #tpu.memory_space<vmem>>, vector<128x256xf32>
    tpu.vector_store %arg4[%swap3A, %swap3A_26], %max3A_25 {strides = array<i32>} : memref<128x1024xf32, #tpu.memory_space<vmem>>, vector<128x256xf32>,
    %get3A_28 = arith.constant 2 : index
    %get3A_29 = arith.constant 0 : index
    %get3A_30 = arith.constant 0 : index
    %get3A_31 = vector.load %arg1[%get3A_28, %get3A_29, %get3A_30] : memref<8x512x128xf32, #tpu.memory_space<vmem>>, vector<1x512x128xf32>
    %get3A_32 = vector.shape_cast %get3A_31 : vector<1x512x128xf32> to vector<512x128xf32>
    %get3A_33 = arith.constant 3 : index
    %get3A_34 = arith.constant 0 : index
    %get3A_35 = arith.constant 0 : index
    %get3A_36 = vector.load %arg1[%get3A_33, %get3A_34, %get3A_35] : memref<8x512x128xf32, #tpu.memory_space<vmem>>, vector<1x512x128xf32>
    %get3A_37 = vector.shape_cast %get3A_36 : vector<1x512x128xf32> to vector<512x128xf32>
    %concatenate3A_38 = tpu.concatenate %get3A_32, %get3A_37 in 1 : vector<512x128xf32>, vector<512x128xf32> -> vector<512x256xf32>
    %convert_element_type3A_39 = arith.truncf %concatenate3A_38 : vector<512x256xf32> to vector<512x256xbf16>
    %convert_element_type3A_40 = arith.extf %convert_element_type3A_39 : vector<512x256xbf16> to vector<512x256xf32>
    %sub3A_41 = arith.subf %concatenate3A_38, %convert_element_type3A_40 : vector<512x256xf32>
    %convert_element_type3A_42 = arith.truncf %sub3A_41 : vector<512x256xf32> to vector<512x256xbf16>
    %dot_general3A_43 = arith.constant dense<0.000000e+00> : vector<128x256xf32>
    %dot_general3A_44 = tpu.matmul %convert_element_type3A, %convert_element_type3A_39, %dot_general3A_43 {dimension_numbers = #tpu.dot_dimension_numbers<[1], [0], [0], [1], [0, 0, 1, 1], [], []>, transpose_lhs_hint = false} : vector<128x512xbf16>, vector<512x256xbf16>, vector<128x256xf32> -> vector<128x256xf32>
    %dot_general3A_45 = arith.constant dense<0.000000e+00> : vector<128x256xf32>
    %dot_general3A_46 = tpu.matmul %convert_element_type3A_3, %convert_element_type3A_39, %dot_general3A_45 {dimension_numbers = #tpu.dot_dimension_numbers<[1], [0], [0], [1], [0, 0, 1, 1], [], []>, transpose_lhs_hint = false} : vector<128x512xbf16>, vector<512x256xbf16>, vector<128x256xf32> -> vector<128x256xf32>
    %add3A_47 = arith.addf %dot_general3A_44, %dot_general3A_46 : vector<128x256xf32>
    %dot_general3A_48 = arith.constant dense<0.000000e+00> : vector<128x256xf32>
    %dot_general3A_49 = tpu.matmul %convert_element_type3A, %convert_element_type3A_42, %dot_general3A_48 {dimension_numbers = #tpu.dot_dimension_numbers<[1], [0], [0], [1], [0, 0, 1, 1], [], []>, transpose_lhs_hint = false} : vector<128x512xbf16>, vector<512x256xbf16>, vector<128x256xf32> -> vector<128x256xf32>
    %add3A_50 = arith.addf %add3A_47, %dot_general3A_49 : vector<128x256xf32>
    %max3A_51 = arith.constant 0.000000e+00 : f32
    %max3A_52 = vector.broadcast %max3A_51 : f32 to vector<128x256xf32>
    %max3A_53 = arith.maximumf %add3A_50, %max3A_52 : vector<128x256xf32>
    %swap3A_54 = arith.constant 0 : index
    %swap3A_55 = arith.constant 256 : index
    %swap3A_56 = vector.load %arg4[%swap3A_54, %swap3A_55] : memref<128x1024xf32, #tpu.memory_space<vmem>>, vector<128x256xf32>
    tpu.vector_store %arg4[%swap3A_54, %swap3A_55], %max3A_53 {strides = array<i32>} : memref<128x1024xf32, #tpu.memory_space<vmem>>, vector<128x256xf32>,
    %get3A_57 = arith.constant 4 : index
    %get3A_58 = arith.constant 0 : index
    %get3A_59 = arith.constant 0 : index
    %get3A_60 = vector.load %arg1[%get3A_57, %get3A_58, %get3A_59] : memref<8x512x128xf32, #tpu.memory_space<vmem>>, vector<1x512x128xf32>
    %get3A_61 = vector.shape_cast %get3A_60 : vector<1x512x128xf32> to vector<512x128xf32>
    %get3A_62 = arith.constant 5 : index
    %get3A_63 = arith.constant 0 : index
    %get3A_64 = arith.constant 0 : index
    %get3A_65 = vector.load %arg1[%get3A_62, %get3A_63, %get3A_64] : memref<8x512x128xf32, #tpu.memory_space<vmem>>, vector<1x512x128xf32>
    %get3A_66 = vector.shape_cast %get3A_65 : vector<1x512x128xf32> to vector<512x128xf32>
    %concatenate3A_67 = tpu.concatenate %get3A_61, %get3A_66 in 1 : vector<512x128xf32>, vector<512x128xf32> -> vector<512x256xf32>
    %convert_element_type3A_68 = arith.truncf %concatenate3A_67 : vector<512x256xf32> to vector<512x256xbf16>
    %convert_element_type3A_69 = arith.extf %convert_element_type3A_68 : vector<512x256xbf16> to vector<512x256xf32>
    %sub3A_70 = arith.subf %concatenate3A_67, %convert_element_type3A_69 : vector<512x256xf32>
    %convert_element_type3A_71 = arith.truncf %sub3A_70 : vector<512x256xf32> to vector<512x256xbf16>
    %dot_general3A_72 = arith.constant dense<0.000000e+00> : vector<128x256xf32>
    %dot_general3A_73 = tpu.matmul %convert_element_type3A, %convert_element_type3A_68, %dot_general3A_72 {dimension_numbers = #tpu.dot_dimension_numbers<[1], [0], [0], [1], [0, 0, 1, 1], [], []>, transpose_lhs_hint = false} : vector<128x512xbf16>, vector<512x256xbf16>, vector<128x256xf32> -> vector<128x256xf32>
    %dot_general3A_74 = arith.constant dense<0.000000e+00> : vector<128x256xf32>
    %dot_general3A_75 = tpu.matmul %convert_element_type3A_3, %convert_element_type3A_68, %dot_general3A_74 {dimension_numbers = #tpu.dot_dimension_numbers<[1], [0], [0], [1], [0, 0, 1, 1], [], []>, transpose_lhs_hint = false} : vector<128x512xbf16>, vector<512x256xbf16>, vector<128x256xf32> -> vector<128x256xf32>
    %add3A_76 = arith.addf %dot_general3A_73, %dot_general3A_75 : vector<128x256xf32>
    %dot_general3A_77 = arith.constant dense<0.000000e+00> : vector<128x256xf32>
    %dot_general3A_78 = tpu.matmul %convert_element_type3A, %convert_element_type3A_71, %dot_general3A_77 {dimension_numbers = #tpu.dot_dimension_numbers<[1], [0], [0], [1], [0, 0, 1, 1], [], []>, transpose_lhs_hint = false} : vector<128x512xbf16>, vector<512x256xbf16>, vector<128x256xf32> -> vector<128x256xf32>
    %add3A_79 = arith.addf %add3A_76, %dot_general3A_78 : vector<128x256xf32>
    %max3A_80 = arith.constant 0.000000e+00 : f32
    %max3A_81 = vector.broadcast %max3A_80 : f32 to vector<128x256xf32>
    %max3A_82 = arith.maximumf %add3A_79, %max3A_81 : vector<128x256xf32>
    %swap3A_83 = arith.constant 0 : index
    %swap3A_84 = arith.constant 512 : index
    %swap3A_85 = vector.load %arg4[%swap3A_83, %swap3A_84] : memref<128x1024xf32, #tpu.memory_space<vmem>>, vector<128x256xf32>
    tpu.vector_store %arg4[%swap3A_83, %swap3A_84], %max3A_82 {strides = array<i32>} : memref<128x1024xf32, #tpu.memory_space<vmem>>, vector<128x256xf32>,
    %get3A_86 = arith.constant 6 : index
    %get3A_87 = arith.constant 0 : index
    %get3A_88 = arith.constant 0 : index
    %get3A_89 = vector.load %arg1[%get3A_86, %get3A_87, %get3A_88] : memref<8x512x128xf32, #tpu.memory_space<vmem>>, vector<1x512x128xf32>
    %get3A_90 = vector.shape_cast %get3A_89 : vector<1x512x128xf32> to vector<512x128xf32>
    %get3A_91 = arith.constant 7 : index
    %get3A_92 = arith.constant 0 : index
    %get3A_93 = arith.constant 0 : index
    %get3A_94 = vector.load %arg1[%get3A_91, %get3A_92, %get3A_93] : memref<8x512x128xf32, #tpu.memory_space<vmem>>, vector<1x512x128xf32>
    %get3A_95 = vector.shape_cast %get3A_94 : vector<1x512x128xf32> to vector<512x128xf32>
    %concatenate3A_96 = tpu.concatenate %get3A_90, %get3A_95 in 1 : vector<512x128xf32>, vector<512x128xf32> -> vector<512x256xf32>
    %convert_element_type3A_97 = arith.truncf %concatenate3A_96 : vector<512x256xf32> to vector<512x256xbf16>
    %convert_element_type3A_98 = arith.extf %convert_element_type3A_97 : vector<512x256xbf16> to vector<512x256xf32>
    %sub3A_99 = arith.subf %concatenate3A_96, %convert_element_type3A_98 : vector<512x256xf32>
    %convert_element_type3A_100 = arith.truncf %sub3A_99 : vector<512x256xf32> to vector<512x256xbf16>
    %dot_general3A_101 = arith.constant dense<0.000000e+00> : vector<128x256xf32>
    %dot_general3A_102 = tpu.matmul %convert_element_type3A, %convert_element_type3A_97, %dot_general3A_101 {dimension_numbers = #tpu.dot_dimension_numbers<[1], [0], [0], [1], [0, 0, 1, 1], [], []>, transpose_lhs_hint = false} : vector<128x512xbf16>, vector<512x256xbf16>, vector<128x256xf32> -> vector<128x256xf32>
    %dot_general3A_103 = arith.constant dense<0.000000e+00> : vector<128x256xf32>
    %dot_general3A_104 = tpu.matmul %convert_element_type3A_3, %convert_element_type3A_97, %dot_general3A_103 {dimension_numbers = #tpu.dot_dimension_numbers<[1], [0], [0], [1], [0, 0, 1, 1], [], []>, transpose_lhs_hint = false} : vector<128x512xbf16>, vector<512x256xbf16>, vector<128x256xf32> -> vector<128x256xf32>
    %add3A_105 = arith.addf %dot_general3A_102, %dot_general3A_104 : vector<128x256xf32>
    %dot_general3A_106 = arith.constant dense<0.000000e+00> : vector<128x256xf32>
    %dot_general3A_107 = tpu.matmul %convert_element_type3A, %convert_element_type3A_100, %dot_general3A_106 {dimension_numbers = #tpu.dot_dimension_numbers<[1], [0], [0], [1], [0, 0, 1, 1], [], []>, transpose_lhs_hint = false} : vector<128x512xbf16>, vector<512x256xbf16>, vector<128x256xf32> -> vector<128x256xf32>
    %add3A_108 = arith.addf %add3A_105, %dot_general3A_107 : vector<128x256xf32>
    %max3A_109 = arith.constant 0.000000e+00 : f32
    %max3A_110 = vector.broadcast %max3A_109 : f32 to vector<128x256xf32>
    %max3A_111 = arith.maximumf %add3A_108, %max3A_110 : vector<128x256xf32>
    %swap3A_112 = arith.constant 0 : index
    %swap3A_113 = arith.constant 768 : index
    %swap3A_114 = vector.load %arg4[%swap3A_112, %swap3A_113] : memref<128x1024xf32, #tpu.memory_space<vmem>>, vector<128x256xf32>
    tpu.vector_store %arg4[%swap3A_112, %swap3A_113], %max3A_111 {strides = array<i32>} : memref<128x1024xf32, #tpu.memory_space<vmem>>, vector<128x256xf32>,
    %get3A_115 = arith.constant 0 : index
    %get3A_116 = arith.constant 0 : index
    %get3A_117 = vector.load %arg4[%get3A_115, %get3A_116] : memref<128x1024xf32, #tpu.memory_space<vmem>>, vector<128x1024xf32>
    %convert_element_type3A_118 = arith.truncf %get3A_117 : vector<128x1024xf32> to vector<128x1024xbf16>
    %convert_element_type3A_119 = arith.extf %convert_element_type3A_118 : vector<128x1024xbf16> to vector<128x1024xf32>
    %sub3A_120 = arith.subf %get3A_117, %convert_element_type3A_119 : vector<128x1024xf32>
    %convert_element_type3A_121 = arith.truncf %sub3A_120 : vector<128x1024xf32> to vector<128x1024xbf16>
    %get3A_122 = arith.constant 0 : index
    %get3A_123 = arith.constant 0 : index
    %get3A_124 = arith.constant 0 : index
    %get3A_125 = vector.load %arg2[%get3A_122, %get3A_123, %get3A_124] : memref<2x1024x128xf32, #tpu.memory_space<vmem>>, vector<1x1024x128xf32>
    %get3A_126 = vector.shape_cast %get3A_125 : vector<1x1024x128xf32> to vector<1024x128xf32>
    %get3A_127 = arith.constant 1 : index
    %get3A_128 = arith.constant 0 : index
    %get3A_129 = arith.constant 0 : index
    %get3A_130 = vector.load %arg2[%get3A_127, %get3A_128, %get3A_129] : memref<2x1024x128xf32, #tpu.memory_space<vmem>>, vector<1x1024x128xf32>
    %get3A_131 = vector.shape_cast %get3A_130 : vector<1x1024x128xf32> to vector<1024x128xf32>
    %concatenate3A_132 = tpu.concatenate %get3A_126, %get3A_131 in 1 : vector<1024x128xf32>, vector<1024x128xf32> -> vector<1024x256xf32>
    %convert_element_type3A_133 = arith.truncf %concatenate3A_132 : vector<1024x256xf32> to vector<1024x256xbf16>
    %convert_element_type3A_134 = arith.extf %convert_element_type3A_133 : vector<1024x256xbf16> to vector<1024x256xf32>
    %sub3A_135 = arith.subf %concatenate3A_132, %convert_element_type3A_134 : vector<1024x256xf32>
    %convert_element_type3A_136 = arith.truncf %sub3A_135 : vector<1024x256xf32> to vector<1024x256xbf16>
    %dot_general3A_137 = arith.constant dense<0.000000e+00> : vector<128x256xf32>
    %dot_general3A_138 = tpu.matmul %convert_element_type3A_118, %convert_element_type3A_133, %dot_general3A_137 {dimension_numbers = #tpu.dot_dimension_numbers<[1], [0], [0], [1], [0, 0, 1, 1], [], []>, transpose_lhs_hint = false} : vector<128x1024xbf16>, vector<1024x256xbf16>, vector<128x256xf32> -> vector<128x256xf32>
    %dot_general3A_139 = arith.constant dense<0.000000e+00> : vector<128x256xf32>
    %dot_general3A_140 = tpu.matmul %convert_element_type3A_121, %convert_element_type3A_133, %dot_general3A_139 {dimension_numbers = #tpu.dot_dimension_numbers<[1], [0], [0], [1], [0, 0, 1, 1], [], []>, transpose_lhs_hint = false} : vector<128x1024xbf16>, vector<1024x256xbf16>, vector<128x256xf32> -> vector<128x256xf32>
    %add3A_141 = arith.addf %dot_general3A_138, %dot_general3A_140 : vector<128x256xf32>
    %dot_general3A_142 = arith.constant dense<0.000000e+00> : vector<128x256xf32>
    %dot_general3A_143 = tpu.matmul %convert_element_type3A_118, %convert_element_type3A_136, %dot_general3A_142 {dimension_numbers = #tpu.dot_dimension_numbers<[1], [0], [0], [1], [0, 0, 1, 1], [], []>, transpose_lhs_hint = false} : vector<128x1024xbf16>, vector<1024x256xbf16>, vector<128x256xf32> -> vector<128x256xf32>
    %add3A_144 = arith.addf %add3A_141, %dot_general3A_143 : vector<128x256xf32>
    %swap3A_145 = arith.constant 0 : index
    %swap3A_146 = arith.constant 0 : index
    %swap3A_147 = vector.load %arg3[%swap3A_145, %swap3A_146] : memref<128x256xf32, #tpu.memory_space<vmem>>, vector<128x256xf32>
    tpu.vector_store %arg3[%swap3A_145, %swap3A_146], %add3A_144 {strides = array<i32>} : memref<128x256xf32, #tpu.memory_space<vmem>>, vector<128x256xf32>,
    return
  }
}

</mosaic_0001>

<sc_bundles>
// kernel: kernel.4.cloned.1.call-start
scs
__scs_entry_jumppad:
0x0: {  	(pc) =	sbr.rel $0x88, $3  }
0x1: {  	(tag) =	ssettag $0x0;
	lr =	simm.s32 $0x1  }
0x2: {  	[smem:$0x3F9A] =	sst lr;
	_ =	strace $0xD0000000  }
0x3: {  	_ = 	snop  }
0x4: {  	_ = 	snop  }
0x5: {  	_ = 	snop  }
0x6: {  	_ = 	snop  }
0x7: {  	_ = 	snop  }
__scs_overlays_trampoline_lowered:
0x8: {  	[smem:$0x3FA9] =	sst s0  }
0x9: {  	[smem:$0x3FAA] =	sst s1  }
0xa: {  	[smem:$0x3FAB] =	sst s2  }
0xb: {  	[smem:$0x3FAC] =	sst s3  }
0xc: {  	[smem:$0x3FAD] =	sst s4  }
0xd: {  	[smem:$0x3FAE] =	sst s5  }
0xe: {  	[smem:$0x3FAF] =	sst s6  }
0xf: {  	[smem:$0x3FB0] =	sst s7  }
0x10: {  	[smem:$0x3FB1] =	sst s8  }
0x11: {  	[smem:$0x3FB2] =	sst s9;
	s0 =	simm.s32 @!p0 $0x0  }
0x12: {  	s1 =	sld [smem:$0x3F98];
	s0 =	simm.s32 @p0 $0x1  }
0x13: {  	[smem:$0x3FB3] =	sst s0;
	s0 =	simm.s32 @!p1 $0x0  }
0x14: {  	s2 =	sld [smem:$0x3F97];
	s0 =	simm.s32 @p1 $0x1  }
0x15: {  	[smem:$0x3FB4] =	sst s0;
	s0 =	simm.s32 @!p2 $0x0  }
0x16: {  	s3 =	sld [smem:$0x3FDB];
	s0 =	simm.s32 @p2 $0x1  }
0x17: {  	s4 =	simm.s32 $0x1BF5;
	[smem:$0x3FB6] =	sst s0  }
0x18: {  	s0 =	sld [smem:$0x3F99];
	_ =	swait.ge [sflag:s4], $0x0  }
0x19: {  	s7 =	sld [smem:$0x3F9A]  }
0x1a: {  	s8 =	sadd.s32 $0xFFFFE003, lr  }
0x1b: {  	s9 =	sadd.s32 $0xFFFFFEF7, lr;
	s5 =	simm.s32 $0xFFFFFFFF;
	p2 =	slt.u32 s8, $0xFFFFF086  }
0x1c: {  	p1 =	slt.u32 s9, $0xF7A;
	s5 =	simm.s32 @!p2 $0x0  }
0x1d: {  	s5 =	simm.s32 @p1 $0x1;
	p0 =	seq.s32 s7, s2  }
0x1e: {  	s7 =	smul.u32 @!p0 $0xF7A, s2;
	p2 =	seq.s32 @!p0 s5, $0x0  }
0x1f: {  	s9 =	smul.u32 $0xF7A, s1;
	s8 =	simm.s32 @!p0 $0x1BF5;
	p2 =	por !p2, p0  }
0x20: {  	[sflag:s8] =	ssyncset.s32 @!p0 $0xFFFFF086;
	s6 =	sadd.s32 @!p0 s3, s7;
	s7 =	simm.s32 @!p0 $0x108  }
0x21: {  	s3 =	sadd.s32 s3, s9;
	s6 =	sadd.s32 @!p0 $0x88, s6;
	s7 =	simm.s32 @p2 $0x1082  }
0x22: {  	[simem:s7], [sflag:s8] =	dma.local @!p0 [hbm:s6], $0xF7A  }
0x23: {  	s9 =	sor.u32 $0xD0000000, s2;
	s6 =	simm.s32 $0x108;
	_ =	swait.ge @!p0 [sflag:s8], $0x0  }
0x24: {  	s3 =	sadd.s32 $0x88, s3;
	s6 =	simm.s32 @!p1 $0x1082;
	[sflag:s4] =	ssyncset.s32 $0xFFFFF086  }
0x25: {  	[simem:s6], [sflag:s4] =	dma.local [hbm:s3], $0xF7A  }
0x26: {  	[smem:$0x3F9A] =	sst s1;
	(tag) =	ssettag s2;
	_ =	strace s9  }
0x27: {  	s1 =	sld [smem:$0x3FAA]  }
0x28: {  	s2 =	sld [smem:$0x3FAB]  }
0x29: {  	s4 =	sld [smem:$0x3FAD]  }
0x2a: {  	p0 =	seq.s32 s5, $0x0;
	s5 =	sld [smem:$0x3FAE]  }
0x2b: {  	s6 =	sld [smem:$0x3FAF]  }
0x2c: {  	s7 =	sld [smem:$0x3FB0]  }
0x2d: {  	s3 =	simm.s32 $0x108;
	s8 =	sld [smem:$0x3FB1]  }
0x2e: {  	s3 =	simm.s32 @!p0 $0x1082;
	s9 =	sld [smem:$0x3FB2]  }
0x2f: {  	lr =	sadd.s32 s0, s3;
	s0 =	sld [smem:$0x3FA9]  }
0x30: {  	s3 =	sld [smem:$0x3FAC]  }
0x31: {  	[smem:$0x3FB5] =	sst s10  }
0x32: {  	s10 =	sld [smem:$0x3FB3];
	_ =	sdelay $0x3  }
0x33: {  	p0 =	seq.s32 s10, $0x1;
	s10 =	sld [smem:$0x3FB5];
	_ =	sdelay $0x3  }
0x34: {  	[smem:$0x3FB5] =	sst s10  }
0x35: {  	s10 =	sld [smem:$0x3FB4];
	_ =	sdelay $0x3  }
0x36: {  	p1 =	seq.s32 s10, $0x1;
	s10 =	sld [smem:$0x3FB5];
	_ =	sdelay $0x3  }
0x37: {  	[smem:$0x3FB5] =	sst s10  }
0x38: {  	s10 =	sld [smem:$0x3FB6]  }
0x39: {  	_ = 	snop;
	(pc) =	sbr.ind lr, $3  }
0x3a: {  	_ = 	snop  }
0x3b: {  	_ = 	snop  }
0x3c: {  	p2 =	seq.s32 s10, $0x1;
	s10 =	sld [smem:$0x3FB5]  }
0x3d: {  	_ =	shalt  }
0x3e: {  	_ =	shalt  }
0x3f: {  	_ =	shalt  }
0x40: {  	_ =	shalt  }
0x41: {  	_ =	shalt  }
0x42: {  	_ =	shalt  }
0x43: {  	_ =	shalt  }
0x44: {  	_ =	shalt  }
0x45: {  	_ =	shalt  }
0x46: {  	_ =	shalt  }
0x47: {  	_ =	shalt  }
0x48: {  	_ =	shalt  }
0x49: {  	_ =	shalt  }
0x4a: {  	_ =	shalt  }
0x4b: {  	_ =	shalt  }
0x4c: {  	_ =	shalt  }
0x4d: {  	_ =	shalt  }
0x4e: {  	_ =	shalt  }
0x4f: {  	_ =	shalt  }
0x50: {  	_ =	shalt  }
0x51: {  	_ =	shalt  }
0x52: {  	_ =	shalt  }
0x53: {  	_ =	shalt  }
0x54: {  	_ =	shalt  }
0x55: {  	_ =	shalt  }
0x56: {  	_ =	shalt  }
0x57: {  	_ =	shalt  }
0x58: {  	_ =	shalt  }
0x59: {  	_ =	shalt  }
0x5a: {  	_ =	shalt  }
0x5b: {  	_ =	shalt  }
0x5c: {  	_ =	shalt  }
0x5d: {  	_ =	shalt  }
0x5e: {  	_ =	shalt  }
0x5f: {  	_ =	shalt  }
0x60: {  	_ =	shalt  }
0x61: {  	_ =	shalt  }
0x62: {  	_ =	shalt  }
0x63: {  	_ =	shalt  }
0x64: {  	_ =	shalt  }
0x65: {  	_ =	shalt  }
0x66: {  	_ =	shalt  }
0x67: {  	_ =	shalt  }
0x68: {  	_ =	shalt  }
0x69: {  	_ =	shalt  }
0x6a: {  	_ =	shalt  }
0x6b: {  	_ =	shalt  }
0x6c: {  	_ =	shalt  }
0x6d: {  	_ =	shalt  }
0x6e: {  	_ =	shalt  }
0x6f: {  	_ =	shalt  }
0x70: {  	_ =	shalt  }
0x71: {  	_ =	shalt  }
0x72: {  	_ =	shalt  }
0x73: {  	_ =	shalt  }
0x74: {  	_ =	shalt  }
0x75: {  	_ =	shalt  }
0x76: {  	_ =	shalt  }
0x77: {  	_ =	shalt  }
0x78: {  	_ =	shalt  }
0x79: {  	_ =	shalt  }
0x7a: {  	_ =	shalt  }
0x7b: {  	_ =	shalt  }
0x7c: {  	_ =	shalt  }
0x7d: {  	_ =	shalt  }
0x7e: {  	_ =	shalt  }
0x7f: {  	_ =	shalt  }
0x80: {  	_ =	shalt  }
0x81: {  	_ =	shalt  }
0x82: {  	_ =	shalt  }
0x83: {  	_ =	shalt  }
0x84: {  	_ =	shalt  }
0x85: {  	_ =	shalt  }
0x86: {  	_ =	shalt  }
0x87: {  	_ =	shalt  }
.Lfunc_end0:
.L_simem_size_0:
called_computation_lowered:
.L_overlay_start_0:
0x88: {  	s2 =	sld [smem:$0x3FD9]  }
0x89: {  	s3 =	sld [smem:$0x3FFE];
	_ =	sdelay $0x1  }
0x8a: {  	s1 =	srdreg.scid  }
0x8b: {  	s0 =	sand.u32 $0x1, s1  }
0x8c: {  	s17 =	sshll.u32 s0, $0xA;
	s2 =	sadd.s32 s3, s2  }
0x8d: {  	s2 =	sadd.s32 s2, s17  }
0x8e: {  	[smem:$0x3FC1] =	sst s2  }
0x8f: {  	_ = 	snop  }
0x90: {  	s2 =	sld [smem:$0x3FC8]  }
0x91: {  	s18 =	sld [smem:$0x3FC7]  }
0x92: {  	s4 =	sld [smem:$0x3FC6]  }
0x93: {  	s5 =	sld [smem:$0x3FC5]  }
0x94: {  	s6 =	sld [smem:$0x3FC4]  }
0x95: {  	s7 =	sld [smem:$0x3FC3];
	(tm) =	ssettm $0x1  }
0x96: {  	s8 =	sld [smem:$0x3FFB];
	_ =	sdelay $0x3  }
0x97: {  	_ =	strace s8  }
0x98: {  	s8 =	sld [smem:$0x3FFC];
	_ =	sdelay $0x3  }
0x99: {  	_ =	strace s8  }
0x9a: {  	s8 =	sld [smem:$0x3FFD];
	_ =	sdelay $0x3  }
0x9b: {  	_ =	strace s8  }
0x9c: {  	_ =	strace $0x8FFFFFFF  }
0x9d: {  	s19 =	sld [smem:$0x3FDB];
	_ =	sdelay $0x1  }
0x9e: {  	s9 =	simm.s32 $_scs_section_size  }
0x9f: {  	s10 =	simm.s32 $_size__tile_overlayer_lowered;
	s11 =	simm.s32 $_tile_overlayer_lowered  }
0xa0: {  	s22 =	simm.s32 $0x1BFF;
	s21 =	sshll.u32 s11, $0x1;
	s8 =	sadd.s32 s9, s19  }
0xa1: {  	s12 =	simm.s32 $0x0;
	s20 =	sshll.u32 s10, $0x1;
	s10 =	sadd.s32 s21, s8  }
0xa2: {  	[timem:s12], [sflag:s22] =	dma.local [hbm:s10], s20  }
0xa3: {  	_ =	swait.ge [sflag:s22], s20  }
0xa4: {  	s9 =	ssub.s32 $0x0, s20;
	[sflag:s22] =	ssyncset.done $0x0  }
0xa5: {  	[sflag:s22] =	ssyncadd.s32 s9;
	_ =	sdelay $0x1  }
0xa6: {  	s23 =	simm.s32 $0x1B8B  }
0xa7: {  	_ =	swait.ge [sflag:s23], $0x1  }
0xa8: {  	[sflag:s23] =	ssyncset.done $0x0  }
0xa9: {  	s25 =	simm.s32 $0x1B8E;
	s24 =	sld [smem:$0x3FFE];
	[sflag:s23] =	ssyncadd.s32 $0xFFFFFFFF  }
0xaa: {  	s26 =	simm.s32 $execute0_lowered;
	[smem:$0x3FD2] =	sst s25  }
0xab: {  	s10 =	sshll.u32 s26, $0x1;
	_ =	strace $0x80000046;
	[dreg:$0x1] =	wrdreg $0xFFFFFFFF  }
0xac: {  	s28 =	simm.s32 $_size_execute0_lowered;
	s8 =	sadd.s32 s8, s10;
	[dreg:$0x0] =	wrdreg $0x0  }
0xad: {  	s10 =	sshll.u32 s28, $0x1;
	[dreg:$0x2] =	wrdreg s8  }
0xae: {  	[dreg:$0x3] =	wrdreg s10  }
0xaf: {  	[dreg:$0x4] =	wrdreg $0xC0  }
0xb0: {  	_ =	task [dreg:s12], $0x5FFFF  }
0xb1: {  	[dreg:$0x1] =	wrdreg $0xFFFFFFFF  }
0xb2: {  	[dreg:$0x0] =	wrdreg $0x60  }
0xb3: {  	[dreg:$0x2] =	wrdreg s2  }
0xb4: {  	[dreg:$0x3] =	wrdreg s18  }
0xb5: {  	[dreg:$0x4] =	wrdreg s4  }
0xb6: {  	[dreg:$0x5] =	wrdreg s5  }
0xb7: {  	[dreg:$0x6] =	wrdreg s6  }
0xb8: {  	[dreg:$0x7] =	wrdreg s7  }
0xb9: {  	[dreg:$0x8] =	wrdreg s24  }
0xba: {  	[dreg:$0x9] =	wrdreg $0x50000  }
0xbb: {  	[dreg:$0xa] =	wrdreg $0x9  }
0xbc: {  	_ =	task.clear_ibuf [dreg:s12], $0xBFFFF;
	_ =	strace $0x90000046  }
0xbd: {  	s29 =	simm.s32 $0x9;
	_ =	strace $0x80000048  }
0xbe: {  	_ =	swait.ge [sflag:s29], $0x1  }
0xbf: {  	[sflag:s29] =	ssyncadd.s32 $0xFFFFFFFF  }
0xc0: {  	_ =	strace $0x90000048  }
0xc1: {  	_ =	sfence  }
0xc2: {  	s30 =	sld [smem:$0x0];
	_ =	sdelay $0x2  }
0xc3: {  	s31 =	sshll.u32 s1, $0xD;
	s1 =	sshrl.u32 s1, $0x2  }
0xc4: {  	s3 =	sand.u32 $0x4000, s31;
	s1 =	sadd.s32 s1, s30  }
0xc5: {  	s0 =	sor.u32 s3, s0;
	s1 =	sshll.u32 s1, $0x11  }
0xc6: {  	s0 =	sor.u32 s1, s0  }
0xc7: {  	s0 =	sadd.s32 $0x8F2B, s0  }
0xc8: {  	[sflag:s0] =	ssyncadd.remote.s32 $0x1  }
0xc9: {  	_ =	sfence.sel $0xFFFF  }
0xca: {  	[dreg:$0x0] =	wrdreg $0xFFFFFFFF;
	(pc) =	sbr.abs _section_cstart, $3  }
0xcb: {  	[dreg:$0x1] =	wrdreg $0xFFFFFFFF  }
0xcc: {  	_ =	task.clear_ibuf [dreg:s12], $0x2FFFF;
	_ =	strace $0x9FFFFFFF  }
0xcd: {  	(tm) =	ssettm $0x7FFFFFFF  }
tec
execute0_lowered:
.L_overlay_start_1:
0x0: {  	(tag) =	ssettag $0x1  }
0x1: {  	s0 =	rddreg [dreg:$0x0]  }
0x2: {  	s4 =	rddreg [dreg:$0x1]  }
0x3: {  	s5 =	rddreg [dreg:$0x2]  }
0x4: {  	s6 =	rddreg [dreg:$0x3]  }
0x5: {  	s10 =	rddreg [dreg:$0x4]  }
0x6: {  	s11 =	rddreg [dreg:$0x5]  }
0x7: {  	s7 =	rddreg [dreg:$0x6]  }
0x8: {  	s2 =	rddreg [dreg:$0x7];
	s3 =	simm.s32 $0x0  }
0x9: {  	s1 =	stileid.u32;
	s8 =	srdreg.scid;
	s28 =	simm.s32 $0x4000  }
0xa: {  	s29 =	simm.s32 $0x1;
	s30 =	simm.s32 $0x2;
	s31 =	simm.s32 $0x80  }
0xb: {  	[smem:$0x7FF] =	sst s3;
	s9 =	sshll.u32 s1, $0xC;
	s8 =	sand.u32 $0x1, s8  }
0xc: {  	s12 =	sshll.u32 s1, $0xB;
	s22 =	sshll.u32 s1, $0x9;
	s25 =	sshll.u32 s1, $0xF  }
0xd: {  	s26 =	sshll.u32 s1, $0xE;
	_ =	strace $0x80000047;
	s9 =	sadd.s32 s9, s7  }
0xe: {  	s13 =	ssub.s32 $0x2, s8;
	s14 =	sadd.s32 s12, s7;
	p0 =	seq.s32 s8, $0x1  }
0xf: {  	s0 =	sadd.s32 s0, s22;
	s23 =	sadd.s32 s4, s22;
	s24 =	sadd.s32 s5, s22  }
0x10: {  	s7 =	sadd.s32 s25, s2;
	s10 =	sadd.s32 s10, s22;
	s11 =	sadd.s32 s11, s22  }
0x11: {  	s12 =	sadd.s32 s26, s2;
	s26 =	simm.s32 $0x2000;
	[dreg:$0x9] =	wrdreg s0  }
0x12: {  	s4 =	simm.s32 $0x4;
	s21 =	sshrl.u32 s13, $0x1;
	[dreg:$0xa] =	wrdreg s23  }
0x13: {  	[dreg:$0xb] =	wrdreg s24;
	s8 =	sadd.s32 $0xE00, s9;
	s9 =	sadd.s32 s6, s22  }
.Ltmp0:
0x14: {  	s16 =	sadd.s32 $0x2000, s7;
	s17 =	sadd.s32 $0x3000, s7;
	(pc) =	sbr.rel .LBB2_1-.Ltmp0, $4  }
0x15: {  	s18 =	sadd.s32 $0x4000, s7;
	s19 =	sadd.s32 $0x5000, s7;
	s20 =	sadd.s32 $0x6000, s7  }
0x16: {  	s22 =	sadd.s32 $0x1000, s12;
	s23 =	sadd.s32 $0x2000, s12;
	s24 =	sadd.s32 $0x3000, s12  }
0x17: {  	s0 =	simm.s32 $0x3;
	s15 =	ssub.s32 s13, s21;
	s13 =	sadd.s32 $0x10E00, s14  }
0x18: {  	v0 =	vimm.f32 $0.0e+00;
	s21 =	sadd.s32 $0x7000, s7;
	s14 =	smax.u32 s15, $0x1;
	s15 =	sadd.s32 $0x1000, s7  }
.LBB2_8:
0x19: {  	[spmem:s2] =	stream.indirect.scatter.add.f32 [tilespmem:s6], [sflag:$0x3], $0x1, s25, s31, $0xb8;
	[tilespmem:$0xD000] =	vst v63  }
0x1a: {  	_ =	swait.ge [sflag:s0], $0x1000  }
0x1b: {  	[sflag:s0] =	ssyncset.done $0x0  }
0x1c: {  	s5 =	sshll.u32 s1, $0x6;
	[sflag:s0] =	ssyncadd.s32 $0xFFFFF000  }
0x1d: {  	s25 =	sshrl.u32 s7, $0x3;
	s5 =	sor.u32 $0x1C04, s5;
	[bflag:$0x0] =	sbarrier.arrive $0xFFFF  }
0x1e: {  	[hbm:s8], [sflag:s5] =	dma.local [spmem:s25], $0x1000  }
0x1f: {  	_ =	swait.ge [sflag:s4], $0x1000  }
0x20: {  	[sflag:s4] =	ssyncset.done $0x0  }
0x21: {  	[sflag:s4] =	ssyncadd.s32 $0xFFFFF000  }
.LBB2_14:
0x22: {  	s3 =	sadd.s32 $0x1, s3  }
0x23: {  	p1 =	sne.s32 s3, s14  }
.Ltmp1:
0x24: {  	_ = 	snop;
	(pc) =	sbr.rel @!p1 .LBB2_15-.Ltmp1, $1  }
0x25: {  	_ =	sdelay $0x3  }
.LBB2_1:
0x26: {  	s5 =	simm.s32 $0x40;
	s6 =	simm.s32 $0x0  }
.LBB2_2:
0x27: {  	p1 =	sne.s32 s5, $0x3FC0;
	[tilespmem:s6+$0x4000] =	vst v0;
	s6 =	smov.u32 s5;
	s5 =	sadd.s32 $0x40, s5  }
.Ltmp2:
0x28: {  	(pc) =	sbr.rel @p1 .LBB2_2-.Ltmp2, $2  }
0x29: {  	_ =	sdelay $0x2  }
0x2a: {  	s6 =	sshra.s32 s6, $0x2  }
.Ltmp3:
0x2b: {  	(pc) =	sbr.rel @!p0 .LBB2_4-.Ltmp3, $2  }
0x2c: {  	_ =	sdelay $0x2  }
0x2d: {  	[tilespmem:s6+$0x4000] =	vst v0;
	s5 =	simm.s32 $0x0  }
0x2e: {  	[tilespmem:s5], [sflag:$0x1] =	stream.linear.gather [hbm4b:s9+s5], $0x1000, $0x38;
	[tilespmem:$0xD000] =	vst v63  }
0x2f: {  	s6 =	simm.s32 $0x1000  }
0x30: {  	[tilespmem:s6], [sflag:$0x1] =	stream.linear.gather [hbm4b:s10+s5], $0x1000, $0x38;
	[tilespmem:$0xD000] =	vst v63  }
0x31: {  	_ = 	snop  }
0x32: {  	[tilespmem:s26], [sflag:$0x1] =	stream.linear.gather [hbm4b:s11+s5], $0x1000, $0x38;
	[tilespmem:$0xD000] =	vst v63  }
0x33: {  	_ = 	snop  }
0x34: {  	[spmem:s12] =	stream.linear.scatter [tilespmem:s28], [sflag:$0x2], $0x1000, $0x38;
	[tilespmem:$0xD000] =	vst v63  }
0x35: {  	_ = 	snop  }
0x36: {  	[spmem:s22] =	stream.linear.scatter [tilespmem:s28], [sflag:$0x2], $0x1000, $0x38;
	[tilespmem:$0xD000] =	vst v63  }
0x37: {  	_ = 	snop  }
0x38: {  	[spmem:s23] =	stream.linear.scatter [tilespmem:s28], [sflag:$0x2], $0x1000, $0x38;
	[tilespmem:$0xD000] =	vst v63  }
0x39: {  	_ = 	snop  }
0x3a: {  	[spmem:s24] =	stream.linear.scatter [tilespmem:s28], [sflag:$0x2], $0x1000, $0x38;
	[tilespmem:$0xD000] =	vst v63  }
0x3b: {  	_ =	swait.ge [sflag:s29], $0x1000  }
0x3c: {  	[sflag:s29] =	ssyncset.done $0x0  }
0x3d: {  	[sflag:s29] =	ssyncadd.s32 $0xFFFFF000  }
0x3e: {  	_ =	swait.ge [sflag:s29], $0x1000  }
0x3f: {  	[sflag:s29] =	ssyncset.done $0x0  }
0x40: {  	[sflag:s29] =	ssyncadd.s32 $0xFFFFF000  }
0x41: {  	_ =	swait.ge [sflag:s29], $0x1000  }
0x42: {  	[sflag:s29] =	ssyncset.done $0x0  }
0x43: {  	s5 =	simm.s32 $0x0;
	[sflag:s29] =	ssyncadd.s32 $0xFFFFF000  }
0x44: {  	v1 =	vld [tilespmem:s5+$0x1070]  }
0x45: {  	v2 =	vld [tilespmem:s5+$0x70]  }
0x46: {  	v3 =	vld [tilespmem:s5+$0x1000]  }
0x47: {  	v4 =	vld [tilespmem:s5+$0x1010]  }
0x48: {  	v5 =	vld [tilespmem:s5+$0x1020]  }
0x49: {  	v20 =	vld [tilespmem:s5+$0x0]  }
0x4a: {  	v18 =	vld [tilespmem:s5+$0x1050]  }
0x4b: {  	v15 =	vld [tilespmem:s5+$0x1040]  }
0x4c: {  	v6 =	vld [tilespmem:s5+$0x1030];
	v7 =	vshll.u32 v1, $0xA;
	v2 =	vshll.u32 v2, $0x7;
	v8 =	vshll.u32 v3, $0xA  }
0x4d: {  	v21 =	vld [tilespmem:s5+$0x10];
	v1 =	vand.u32 $0x7F, v1;
	v12 =	vand.u32 $0x7F, v3;
	v13 =	vand.u32 $0x7F, v4  }
0x4e: {  	v9 =	vand.u32 $0x7F, v5;
	v20 =	vshll.u32 v20, $0x7;
	v7 =	vand.u32 $0xFFFE0000, v7  }
0x4f: {  	v3 =	vand.u32 $0x7F, v18;
	v19 =	vand.u32 $0xFFFE0000, v8;
	v2 =	vadd.s32 v2, v7;
	v7 =	vld [tilespmem:s5+$0x1060]  }
0x50: {  	v8 =	vshll.u32 v4, $0xA;
	v4 =	vand.u32 $0x7F, v15;
	v1 =	vor.u32 v1, v2  }
0x51: {  	v17 =	vld [tilespmem:s5+$0x20];
	v10 =	vand.u32 $0xFFFE0000, v8;
	v20 =	vadd.s32 v20, v19;
	[tilespmem:s5+$0x3070] =	vst v1;
	v1 =	vshll.u32 v6, $0xA  }
0x52: {  	v16 =	vld [tilespmem:s5+$0x30];
	v19 =	vshll.u32 v21, $0x7;
	v8 =	vand.u32 $0xFFFE0000, v1;
	v1 =	vshll.u32 v15, $0xA  }
0x53: {  	v14 =	vld [tilespmem:s5+$0x40];
	v2 =	vshll.u32 v5, $0xA;
	v5 =	vand.u32 $0xFFFE0000, v1;
	v1 =	vshll.u32 v18, $0xA  }
0x54: {  	v11 =	vand.u32 $0xFFFE0000, v2;
	v15 =	vld [tilespmem:s5+$0x50];
	v2 =	vand.u32 $0xFFFE0000, v1;
	v1 =	vshll.u32 v7, $0xA  }
0x55: {  	s25 =	simm.s32 $0x400;
	s6 =	simm.s32 $0x80;
	v6 =	vand.u32 $0x7F, v6;
	v18 =	vld [tilespmem:s5+$0x60];
	v7 =	vand.u32 $0x7F, v7;
	v1 =	vand.u32 $0xFFFE0000, v1  }
.LBB2_10:
0x56: {  	p1 =	sne.s32 s25, $0x3E00;
	v21 =	vld [tilespmem:s6+$0x1070];
	v12 =	vor.u32 v12, v20;
	v10 =	vadd.s32 v19, v10;
	v17 =	vshll.u32 v17, $0x7  }
0x57: {  	v19 =	vld [tilespmem:s6+$0x70];
	[tilespmem:s5+$0x3000] =	vst v12;
	v10 =	vor.u32 v13, v10;
	v11 =	vadd.s32 v17, v11;
	v12 =	vshll.u32 v16, $0x7  }
0x58: {  	v13 =	vld [tilespmem:s6+$0x1000];
	[tilespmem:s5+$0x3010] =	vst v10;
	v9 =	vor.u32 v9, v11;
	v8 =	vadd.s32 v12, v8;
	v10 =	vshll.u32 v14, $0x7  }
0x59: {  	v11 =	vld [tilespmem:s6+$0x1010];
	[tilespmem:s5+$0x3020] =	vst v9;
	v6 =	vor.u32 v6, v8;
	v5 =	vadd.s32 v10, v5;
	v8 =	vshll.u32 v15, $0x7  }
0x5a: {  	v9 =	vld [tilespmem:s6+$0x1020];
	[tilespmem:s5+$0x3030] =	vst v6;
	v4 =	vor.u32 v4, v5;
	v2 =	vadd.s32 v8, v2;
	v5 =	vshll.u32 v18, $0x7  }
0x5b: {  	v6 =	vld [tilespmem:s6+$0x1030];
	v8 =	vshll.u32 v21, $0xA;
	[tilespmem:s5+$0x3040] =	vst v4;
	v2 =	vor.u32 v3, v2;
	v1 =	vadd.s32 v5, v1  }
0x5c: {  	v3 =	vld [tilespmem:s6+$0x1040];
	v4 =	vand.u32 $0xFFFE0000, v8;
	v5 =	vshll.u32 v19, $0x7;
	[tilespmem:s5+$0x3050] =	vst v2;
	v1 =	vor.u32 v7, v1  }
0x5d: {  	v2 =	vshll.u32 v13, $0xA;
	v7 =	vld [tilespmem:s6+$0x1050];
	v4 =	vadd.s32 v5, v4;
	v5 =	vand.u32 $0x7F, v21;
	[tilespmem:s5+$0x3060] =	vst v1;
	s5 =	smov.u32 s6  }
0x5e: {  	v18 =	vand.u32 $0xFFFE0000, v2;
	v1 =	vshll.u32 v11, $0xA;
	v21 =	vld [tilespmem:s5+$0x1060];
	v2 =	vor.u32 v5, v4  }
0x5f: {  	v12 =	vand.u32 $0x7F, v13;
	v15 =	vld [tilespmem:s5+$0x0];
	v10 =	vand.u32 $0xFFFE0000, v1;
	v1 =	vshll.u32 v9, $0xA;
	[tilespmem:s5+$0x3070] =	vst v2  }
0x60: {  	v13 =	vand.u32 $0x7F, v11;
	v19 =	vld [tilespmem:s5+$0x10];
	v11 =	vand.u32 $0xFFFE0000, v1;
	v1 =	vshll.u32 v6, $0xA  }
.Ltmp4:
0x61: {  	v9 =	vand.u32 $0x7F, v9;
	v17 =	vld [tilespmem:s5+$0x20];
	v8 =	vand.u32 $0xFFFE0000, v1;
	v1 =	vshll.u32 v3, $0xA;
	(pc) =	sbr.rel @p1 .LBB2_10-.Ltmp4, $4  }
0x62: {  	v6 =	vand.u32 $0x7F, v6;
	v16 =	vld [tilespmem:s5+$0x30];
	v5 =	vand.u32 $0xFFFE0000, v1;
	v1 =	vshll.u32 v7, $0xA  }
0x63: {  	v4 =	vand.u32 $0x7F, v3;
	v14 =	vld [tilespmem:s5+$0x40];
	v2 =	vand.u32 $0xFFFE0000, v1;
	v1 =	vshll.u32 v21, $0xA  }
0x64: {  	v3 =	vand.u32 $0x7F, v7;
	v20 =	vshll.u32 v15, $0x7;
	v15 =	vld [tilespmem:s5+$0x50];
	v1 =	vand.u32 $0xFFFE0000, v1  }
0x65: {  	s6 =	sshra.s32 s25, $0x2;
	s25 =	sadd.s32 $0x200, s25;
	v7 =	vand.u32 $0x7F, v21;
	v20 =	vadd.s32 v20, v18;
	v19 =	vshll.u32 v19, $0x7;
	v18 =	vld [tilespmem:s5+$0x60]  }
0x66: {  	v21 =	vld [tilespmem:s6+$0x1070];
	v12 =	vor.u32 v12, v20;
	v10 =	vadd.s32 v19, v10;
	v33 =	vshll.u32 v17, $0x7  }
0x67: {  	v32 =	vld [tilespmem:s6+$0x70];
	[tilespmem:s5+$0x3000] =	vst v12;
	v10 =	vor.u32 v13, v10;
	v11 =	vadd.s32 v33, v11;
	v35 =	vshll.u32 v16, $0x7  }
0x68: {  	v34 =	vld [tilespmem:s6+$0x1000];
	[tilespmem:s5+$0x3010] =	vst v10;
	v9 =	vor.u32 v9, v11;
	v8 =	vadd.s32 v35, v8;
	v37 =	vshll.u32 v14, $0x7  }
0x69: {  	v36 =	vld [tilespmem:s6+$0x1010];
	[tilespmem:s5+$0x3020] =	vst v9;
	v6 =	vor.u32 v6, v8;
	v5 =	vadd.s32 v37, v5;
	v39 =	vshll.u32 v15, $0x7  }
0x6a: {  	v38 =	vld [tilespmem:s6+$0x1020];
	[tilespmem:s5+$0x3030] =	vst v6;
	v4 =	vor.u32 v4, v5;
	v2 =	vadd.s32 v39, v2;
	v41 =	vshll.u32 v18, $0x7  }
0x6b: {  	v40 =	vld [tilespmem:s6+$0x1030];
	[tilespmem:s5+$0x3040] =	vst v4;
	v2 =	vor.u32 v3, v2;
	v1 =	vadd.s32 v41, v1  }
0x6c: {  	v3 =	vld [tilespmem:s6+$0x1040];
	[tilespmem:s5+$0x3050] =	vst v2;
	v1 =	vor.u32 v7, v1  }
0x6d: {  	v43 =	vshll.u32 v32, $0x7;
	v2 =	vshll.u32 v21, $0xA;
	v42 =	vld [tilespmem:s6+$0x1050];
	[tilespmem:s5+$0x3060] =	vst v1  }
0x6e: {  	v2 =	vand.u32 $0xFFFE0000, v2;
	v45 =	vshll.u32 v34, $0xA;
	v47 =	vand.u32 $0x7F, v34;
	v44 =	vld [tilespmem:s6+$0x1060]  }
0x6f: {  	v1 =	vadd.s32 v43, v2;
	v2 =	vand.u32 $0x7F, v21;
	v46 =	vshll.u32 v36, $0xA;
	v48 =	vld [tilespmem:s6+$0x10]  }
0x70: {  	v7 =	vand.u32 $0xFFFE0000, v45;
	v11 =	vand.u32 $0x7F, v36;
	v1 =	vor.u32 v2, v1;
	v2 =	vld [tilespmem:s6+$0x0]  }
0x71: {  	v50 =	vld [tilespmem:s6+$0x20];
	v9 =	vand.u32 $0xFFFE0000, v46;
	v8 =	vand.u32 $0x7F, v38;
	[tilespmem:s6+$0x3070] =	vst v1;
	v1 =	vshll.u32 v38, $0xA  }
0x72: {  	v52 =	vld [tilespmem:s6+$0x30];
	v49 =	vshll.u32 v40, $0xA;
	v5 =	vand.u32 $0x7F, v40;
	v1 =	vand.u32 $0xFFFE0000, v1  }
0x73: {  	v54 =	vld [tilespmem:s6+$0x40];
	v13 =	vand.u32 $0xFFFE0000, v49;
	v51 =	vshll.u32 v3, $0xA;
	v3 =	vand.u32 $0x7F, v3  }
0x74: {  	v56 =	vld [tilespmem:s6+$0x50];
	v53 =	vshll.u32 v42, $0xA;
	v15 =	vand.u32 $0xFFFE0000, v51;
	v4 =	vand.u32 $0x7F, v42  }
0x75: {  	v17 =	vand.u32 $0xFFFE0000, v53;
	v55 =	vshll.u32 v44, $0xA;
	v2 =	vshll.u32 v2, $0x7  }
0x76: {  	v58 =	vld [tilespmem:s6+$0x60];
	v57 =	vshll.u32 v48, $0x7;
	v59 =	vshll.u32 v50, $0x7;
	v2 =	vadd.s32 v2, v7  }
0x77: {  	v60 =	vshll.u32 v52, $0x7;
	v7 =	vadd.s32 v57, v9;
	v2 =	vor.u32 v47, v2  }
0x78: {  	v61 =	vshll.u32 v54, $0x7;
	v1 =	vadd.s32 v59, v1;
	[tilespmem:s6+$0x3000] =	vst v2;
	v2 =	vor.u32 v11, v7  }
0x79: {  	v62 =	vshll.u32 v56, $0x7;
	v1 =	vor.u32 v8, v1;
	[tilespmem:s6+$0x3010] =	vst v2;
	v2 =	vadd.s32 v60, v13  }
0x7a: {  	v19 =	vand.u32 $0xFFFE0000, v55;
	[tilespmem:s6+$0x3020] =	vst v1;
	v1 =	vor.u32 v5, v2;
	v2 =	vadd.s32 v61, v15  }
0x7b: {  	[tilespmem:s6+$0x3030] =	vst v1;
	v1 =	vor.u32 v3, v2;
	v2 =	vadd.s32 v62, v17;
	v3 =	vshll.u32 v58, $0x7  }
0x7c: {  	v63 =	vand.u32 $0x7F, v44;
	[tilespmem:s6+$0x3040] =	vst v1;
	v1 =	vor.u32 v4, v2;
	v2 =	vadd.s32 v3, v19  }
0x7d: {  	[tilespmem:s6+$0x3050] =	vst v1;
	v1 =	vor.u32 v63, v2  }
0x7e: {  	[tilespmem:s6+$0x3060] =	vst v1  }
0x7f: {  	_ =	swait.ge [sflag:s30], $0x800  }
0x80: {  	[sflag:s30] =	ssyncset.done $0x0  }
0x81: {  	s25 =	simm.s32 $0x3000;
	[sflag:s30] =	ssyncadd.s32 $0xFFFFF800  }
0x82: {  	s5 =	simm.s32 $0x200;
	s6 =	simm.s32 $0x2000;
	[bflag:$0x0] =	sbarrier.arrive $0xFFFF  }
.LBB2_12:
0x83: {  	[spmem:s2] =	stream.indirect.scatter.add.f32 [tilespmem:s6], [sflag:$0x3], $0x1, s25, s31, $0xb8;
	[tilespmem:$0xD000] =	vst v63  }
0x84: {  	s6 =	smov.u32 s5;
	p1 =	sne.s32 s5, $0x3E00  }
.Ltmp5:
0x85: {  	s5 =	sadd.s32 $0x200, s5;
	(pc) =	sbr.rel @p1 .LBB2_12-.Ltmp5, $3  }
0x86: {  	_ =	sdelay $0x1  }
0x87: {  	s25 =	sshra.s32 s6, $0x2  }
0x88: {  	s6 =	sadd.s32 $0x2000, s25;
	s25 =	sadd.s32 $0x3000, s25  }
0x89: {  	[spmem:s2] =	stream.indirect.scatter.add.f32 [tilespmem:s6], [sflag:$0x3], $0x1, s25, s31, $0xb8;
	[tilespmem:$0xD000] =	vst v63  }
0x8a: {  	_ =	swait.ge [sflag:s0], $0x1000  }
0x8b: {  	[sflag:s0] =	ssyncset.done $0x0  }
0x8c: {  	s5 =	sshll.u32 s1, $0x6;
	s25 =	sshrl.u32 s12, $0x3;
	[sflag:s0] =	ssyncadd.s32 $0xFFFFF000  }
.Ltmp6:
0x8d: {  	s5 =	sor.u32 $0x1C04, s5;
	[bflag:$0x0] =	sbarrier.arrive $0xFFFF;
	(pc) =	sbr.rel .LBB2_14-.Ltmp6, $4  }
0x8e: {  	[hbm:s13], [sflag:s5] =	dma.local [spmem:s25], $0x800  }
0x8f: {  	_ =	swait.ge [sflag:s4], $0x800  }
0x90: {  	[sflag:s4] =	ssyncset.done $0x0  }
0x91: {  	[sflag:s4] =	ssyncadd.s32 $0xFFFFF800  }
.LBB2_4:
0x92: {  	s6 =	rddreg [dreg:$0x9]  }
0x93: {  	[tilespmem:s5], [sflag:$0x1] =	stream.linear.gather [hbm4b:s6+s5], $0x1000, $0x38;
	[tilespmem:$0xD000] =	vst v63  }
0x94: {  	s25 =	simm.s32 $0x1000;
	s6 =	rddreg [dreg:$0xa]  }
0x95: {  	[tilespmem:s25], [sflag:$0x1] =	stream.linear.gather [hbm4b:s6+s5], $0x1000, $0x38;
	[tilespmem:$0xD000] =	vst v63  }
0x96: {  	s25 =	rddreg [dreg:$0xb]  }
0x97: {  	[tilespmem:s26], [sflag:$0x1] =	stream.linear.gather [hbm4b:s25+s5], $0x1000, $0x38;
	[tilespmem:$0xD000] =	vst v63  }
0x98: {  	_ = 	snop  }
0x99: {  	[spmem:s7] =	stream.linear.scatter [tilespmem:s28], [sflag:$0x2], $0x1000, $0x38;
	[tilespmem:$0xD000] =	vst v63  }
0x9a: {  	_ = 	snop  }
0x9b: {  	[spmem:s15] =	stream.linear.scatter [tilespmem:s28], [sflag:$0x2], $0x1000, $0x38;
	[tilespmem:$0xD000] =	vst v63  }
0x9c: {  	_ = 	snop  }
0x9d: {  	[spmem:s16] =	stream.linear.scatter [tilespmem:s28], [sflag:$0x2], $0x1000, $0x38;
	[tilespmem:$0xD000] =	vst v63  }
0x9e: {  	_ = 	snop  }
0x9f: {  	[spmem:s17] =	stream.linear.scatter [tilespmem:s28], [sflag:$0x2], $0x1000, $0x38;
	[tilespmem:$0xD000] =	vst v63  }
0xa0: {  	_ = 	snop  }
0xa1: {  	[spmem:s18] =	stream.linear.scatter [tilespmem:s28], [sflag:$0x2], $0x1000, $0x38;
	[tilespmem:$0xD000] =	vst v63  }
0xa2: {  	_ = 	snop  }
0xa3: {  	[spmem:s19] =	stream.linear.scatter [tilespmem:s28], [sflag:$0x2], $0x1000, $0x38;
	[tilespmem:$0xD000] =	vst v63  }
0xa4: {  	_ = 	snop  }
0xa5: {  	[spmem:s20] =	stream.linear.scatter [tilespmem:s28], [sflag:$0x2], $0x1000, $0x38;
	[tilespmem:$0xD000] =	vst v63  }
0xa6: {  	_ = 	snop  }
0xa7: {  	[spmem:s21] =	stream.linear.scatter [tilespmem:s28], [sflag:$0x2], $0x1000, $0x38;
	[tilespmem:$0xD000] =	vst v63  }
0xa8: {  	_ =	swait.ge [sflag:s29], $0x1000  }
0xa9: {  	[sflag:s29] =	ssyncset.done $0x0  }
0xaa: {  	[sflag:s29] =	ssyncadd.s32 $0xFFFFF000  }
0xab: {  	_ =	swait.ge [sflag:s29], $0x1000  }
0xac: {  	[sflag:s29] =	ssyncset.done $0x0  }
0xad: {  	[sflag:s29] =	ssyncadd.s32 $0xFFFFF000  }
0xae: {  	_ =	swait.ge [sflag:s29], $0x1000  }
0xaf: {  	[sflag:s29] =	ssyncset.done $0x0  }
0xb0: {  	s5 =	simm.s32 $0x0;
	[sflag:s29] =	ssyncadd.s32 $0xFFFFF000  }
0xb1: {  	v1 =	vld [tilespmem:s5+$0x1070]  }
0xb2: {  	v2 =	vld [tilespmem:s5+$0x70]  }
0xb3: {  	v3 =	vld [tilespmem:s5+$0x1000]  }
0xb4: {  	v4 =	vld [tilespmem:s5+$0x1010]  }
0xb5: {  	v5 =	vld [tilespmem:s5+$0x1020]  }
0xb6: {  	v20 =	vld [tilespmem:s5+$0x0]  }
0xb7: {  	v18 =	vld [tilespmem:s5+$0x1050]  }
0xb8: {  	v15 =	vld [tilespmem:s5+$0x1040]  }
0xb9: {  	v6 =	vld [tilespmem:s5+$0x1030];
	v7 =	vshll.u32 v1, $0x9;
	v2 =	vshll.u32 v2, $0x7;
	v8 =	vshll.u32 v3, $0x9  }
0xba: {  	v21 =	vld [tilespmem:s5+$0x10];
	v1 =	vand.u32 $0x7F, v1;
	v12 =	vand.u32 $0x7F, v3;
	v13 =	vand.u32 $0x7F, v4  }
0xbb: {  	v9 =	vand.u32 $0x7F, v5;
	v20 =	vshll.u32 v20, $0x7;
	v7 =	vand.u32 $0xFFFF0000, v7  }
0xbc: {  	v3 =	vand.u32 $0x7F, v18;
	v19 =	vand.u32 $0xFFFF0000, v8;
	v2 =	vadd.s32 v2, v7;
	v7 =	vld [tilespmem:s5+$0x1060]  }
0xbd: {  	v8 =	vshll.u32 v4, $0x9;
	v4 =	vand.u32 $0x7F, v15;
	v1 =	vor.u32 v1, v2  }
0xbe: {  	v17 =	vld [tilespmem:s5+$0x20];
	v10 =	vand.u32 $0xFFFF0000, v8;
	v20 =	vadd.s32 v20, v19;
	[tilespmem:s5+$0x3070] =	vst v1;
	v1 =	vshll.u32 v6, $0x9  }
0xbf: {  	v16 =	vld [tilespmem:s5+$0x30];
	v19 =	vshll.u32 v21, $0x7;
	v8 =	vand.u32 $0xFFFF0000, v1;
	v1 =	vshll.u32 v15, $0x9  }
0xc0: {  	v14 =	vld [tilespmem:s5+$0x40];
	v2 =	vshll.u32 v5, $0x9;
	v5 =	vand.u32 $0xFFFF0000, v1;
	v1 =	vshll.u32 v18, $0x9  }
0xc1: {  	v11 =	vand.u32 $0xFFFF0000, v2;
	v15 =	vld [tilespmem:s5+$0x50];
	v2 =	vand.u32 $0xFFFF0000, v1;
	v1 =	vshll.u32 v7, $0x9  }
0xc2: {  	s6 =	simm.s32 $0x80;
	s25 =	simm.s32 $0x400;
	v6 =	vand.u32 $0x7F, v6;
	v18 =	vld [tilespmem:s5+$0x60];
	v7 =	vand.u32 $0x7F, v7;
	v1 =	vand.u32 $0xFFFF0000, v1  }
.LBB2_5:
0xc3: {  	p1 =	sne.s32 s25, $0x3E00;
	v21 =	vld [tilespmem:s6+$0x1070];
	v12 =	vor.u32 v12, v20;
	v10 =	vadd.s32 v19, v10;
	v17 =	vshll.u32 v17, $0x7  }
0xc4: {  	v19 =	vld [tilespmem:s6+$0x70];
	[tilespmem:s5+$0x3000] =	vst v12;
	v10 =	vor.u32 v13, v10;
	v11 =	vadd.s32 v17, v11;
	v12 =	vshll.u32 v16, $0x7  }
0xc5: {  	v13 =	vld [tilespmem:s6+$0x1000];
	[tilespmem:s5+$0x3010] =	vst v10;
	v9 =	vor.u32 v9, v11;
	v8 =	vadd.s32 v12, v8;
	v10 =	vshll.u32 v14, $0x7  }
0xc6: {  	v11 =	vld [tilespmem:s6+$0x1010];
	[tilespmem:s5+$0x3020] =	vst v9;
	v6 =	vor.u32 v6, v8;
	v5 =	vadd.s32 v10, v5;
	v8 =	vshll.u32 v15, $0x7  }
0xc7: {  	v9 =	vld [tilespmem:s6+$0x1020];
	[tilespmem:s5+$0x3030] =	vst v6;
	v4 =	vor.u32 v4, v5;
	v2 =	vadd.s32 v8, v2;
	v5 =	vshll.u32 v18, $0x7  }
0xc8: {  	v6 =	vld [tilespmem:s6+$0x1030];
	v8 =	vshll.u32 v21, $0x9;
	[tilespmem:s5+$0x3040] =	vst v4;
	v2 =	vor.u32 v3, v2;
	v1 =	vadd.s32 v5, v1  }
0xc9: {  	v3 =	vld [tilespmem:s6+$0x1040];
	v4 =	vand.u32 $0xFFFF0000, v8;
	v5 =	vshll.u32 v19, $0x7;
	[tilespmem:s5+$0x3050] =	vst v2;
	v1 =	vor.u32 v7, v1  }
0xca: {  	v2 =	vshll.u32 v13, $0x9;
	v7 =	vld [tilespmem:s6+$0x1050];
	v4 =	vadd.s32 v5, v4;
	v5 =	vand.u32 $0x7F, v21;
	[tilespmem:s5+$0x3060] =	vst v1;
	s5 =	smov.u32 s6  }
0xcb: {  	v18 =	vand.u32 $0xFFFF0000, v2;
	v1 =	vshll.u32 v11, $0x9;
	v21 =	vld [tilespmem:s5+$0x1060];
	v2 =	vor.u32 v5, v4  }
0xcc: {  	v12 =	vand.u32 $0x7F, v13;
	v15 =	vld [tilespmem:s5+$0x0];
	v10 =	vand.u32 $0xFFFF0000, v1;
	v1 =	vshll.u32 v9, $0x9;
	[tilespmem:s5+$0x3070] =	vst v2  }
0xcd: {  	v13 =	vand.u32 $0x7F, v11;
	v19 =	vld [tilespmem:s5+$0x10];
	v11 =	vand.u32 $0xFFFF0000, v1;
	v1 =	vshll.u32 v6, $0x9  }
.Ltmp7:
0xce: {  	v9 =	vand.u32 $0x7F, v9;
	v17 =	vld [tilespmem:s5+$0x20];
	v8 =	vand.u32 $0xFFFF0000, v1;
	v1 =	vshll.u32 v3, $0x9;
	(pc) =	sbr.rel @p1 .LBB2_5-.Ltmp7, $4  }
0xcf: {  	v6 =	vand.u32 $0x7F, v6;
	v16 =	vld [tilespmem:s5+$0x30];
	v5 =	vand.u32 $0xFFFF0000, v1;
	v1 =	vshll.u32 v7, $0x9  }
0xd0: {  	v4 =	vand.u32 $0x7F, v3;
	v14 =	vld [tilespmem:s5+$0x40];
	v2 =	vand.u32 $0xFFFF0000, v1;
	v1 =	vshll.u32 v21, $0x9  }
0xd1: {  	v3 =	vand.u32 $0x7F, v7;
	v20 =	vshll.u32 v15, $0x7;
	v15 =	vld [tilespmem:s5+$0x50];
	v1 =	vand.u32 $0xFFFF0000, v1  }
0xd2: {  	s6 =	sshra.s32 s25, $0x2;
	s25 =	sadd.s32 $0x200, s25;
	v7 =	vand.u32 $0x7F, v21;
	v20 =	vadd.s32 v20, v18;
	v19 =	vshll.u32 v19, $0x7;
	v18 =	vld [tilespmem:s5+$0x60]  }
0xd3: {  	v21 =	vld [tilespmem:s6+$0x1070];
	v12 =	vor.u32 v12, v20;
	v10 =	vadd.s32 v19, v10;
	v33 =	vshll.u32 v17, $0x7  }
0xd4: {  	v32 =	vld [tilespmem:s6+$0x70];
	[tilespmem:s5+$0x3000] =	vst v12;
	v10 =	vor.u32 v13, v10;
	v11 =	vadd.s32 v33, v11;
	v35 =	vshll.u32 v16, $0x7  }
0xd5: {  	v34 =	vld [tilespmem:s6+$0x1000];
	[tilespmem:s5+$0x3010] =	vst v10;
	v9 =	vor.u32 v9, v11;
	v8 =	vadd.s32 v35, v8;
	v37 =	vshll.u32 v14, $0x7  }
0xd6: {  	v36 =	vld [tilespmem:s6+$0x1010];
	[tilespmem:s5+$0x3020] =	vst v9;
	v6 =	vor.u32 v6, v8;
	v5 =	vadd.s32 v37, v5;
	v39 =	vshll.u32 v15, $0x7  }
0xd7: {  	v38 =	vld [tilespmem:s6+$0x1020];
	[tilespmem:s5+$0x3030] =	vst v6;
	v4 =	vor.u32 v4, v5;
	v2 =	vadd.s32 v39, v2;
	v41 =	vshll.u32 v18, $0x7  }
0xd8: {  	v40 =	vld [tilespmem:s6+$0x1030];
	[tilespmem:s5+$0x3040] =	vst v4;
	v2 =	vor.u32 v3, v2;
	v1 =	vadd.s32 v41, v1  }
0xd9: {  	v3 =	vld [tilespmem:s6+$0x1040];
	[tilespmem:s5+$0x3050] =	vst v2;
	v1 =	vor.u32 v7, v1  }
0xda: {  	v43 =	vshll.u32 v32, $0x7;
	v2 =	vshll.u32 v21, $0x9;
	v42 =	vld [tilespmem:s6+$0x1050];
	[tilespmem:s5+$0x3060] =	vst v1  }
0xdb: {  	v2 =	vand.u32 $0xFFFF0000, v2;
	v45 =	vshll.u32 v34, $0x9;
	v47 =	vand.u32 $0x7F, v34;
	v44 =	vld [tilespmem:s6+$0x1060]  }
0xdc: {  	v1 =	vadd.s32 v43, v2;
	v2 =	vand.u32 $0x7F, v21;
	v46 =	vshll.u32 v36, $0x9;
	v48 =	vld [tilespmem:s6+$0x10]  }
0xdd: {  	v7 =	vand.u32 $0xFFFF0000, v45;
	v11 =	vand.u32 $0x7F, v36;
	v1 =	vor.u32 v2, v1;
	v2 =	vld [tilespmem:s6+$0x0]  }
0xde: {  	v50 =	vld [tilespmem:s6+$0x20];
	v9 =	vand.u32 $0xFFFF0000, v46;
	v8 =	vand.u32 $0x7F, v38;
	[tilespmem:s6+$0x3070] =	vst v1;
	v1 =	vshll.u32 v38, $0x9  }
0xdf: {  	v52 =	vld [tilespmem:s6+$0x30];
	v49 =	vshll.u32 v40, $0x9;
	v5 =	vand.u32 $0x7F, v40;
	v1 =	vand.u32 $0xFFFF0000, v1  }
0xe0: {  	v54 =	vld [tilespmem:s6+$0x40];
	v13 =	vand.u32 $0xFFFF0000, v49;
	v51 =	vshll.u32 v3, $0x9;
	v3 =	vand.u32 $0x7F, v3  }
0xe1: {  	v56 =	vld [tilespmem:s6+$0x50];
	v53 =	vshll.u32 v42, $0x9;
	v15 =	vand.u32 $0xFFFF0000, v51;
	v4 =	vand.u32 $0x7F, v42  }
0xe2: {  	v17 =	vand.u32 $0xFFFF0000, v53;
	v55 =	vshll.u32 v44, $0x9;
	v2 =	vshll.u32 v2, $0x7  }
0xe3: {  	v58 =	vld [tilespmem:s6+$0x60];
	v57 =	vshll.u32 v48, $0x7;
	v59 =	vshll.u32 v50, $0x7;
	v2 =	vadd.s32 v2, v7  }
0xe4: {  	v60 =	vshll.u32 v52, $0x7;
	v7 =	vadd.s32 v57, v9;
	v2 =	vor.u32 v47, v2  }
0xe5: {  	v61 =	vshll.u32 v54, $0x7;
	v1 =	vadd.s32 v59, v1;
	[tilespmem:s6+$0x3000] =	vst v2;
	v2 =	vor.u32 v11, v7  }
0xe6: {  	v62 =	vshll.u32 v56, $0x7;
	v1 =	vor.u32 v8, v1;
	[tilespmem:s6+$0x3010] =	vst v2;
	v2 =	vadd.s32 v60, v13  }
0xe7: {  	v19 =	vand.u32 $0xFFFF0000, v55;
	[tilespmem:s6+$0x3020] =	vst v1;
	v1 =	vor.u32 v5, v2;
	v2 =	vadd.s32 v61, v15  }
0xe8: {  	[tilespmem:s6+$0x3030] =	vst v1;
	v1 =	vor.u32 v3, v2;
	v2 =	vadd.s32 v62, v17;
	v3 =	vshll.u32 v58, $0x7  }
0xe9: {  	v63 =	vand.u32 $0x7F, v44;
	[tilespmem:s6+$0x3040] =	vst v1;
	v1 =	vor.u32 v4, v2;
	v2 =	vadd.s32 v3, v19  }
0xea: {  	[tilespmem:s6+$0x3050] =	vst v1;
	v1 =	vor.u32 v63, v2  }
0xeb: {  	[tilespmem:s6+$0x3060] =	vst v1  }
0xec: {  	_ =	swait.ge [sflag:s30], $0x1000  }
0xed: {  	[sflag:s30] =	ssyncset.done $0x0  }
0xee: {  	s25 =	simm.s32 $0x3000;
	[sflag:s30] =	ssyncadd.s32 $0xFFFFF000  }
0xef: {  	s5 =	simm.s32 $0x200;
	s6 =	simm.s32 $0x2000;
	[bflag:$0x0] =	sbarrier.arrive $0xFFFF  }
.LBB2_7:
0xf0: {  	[spmem:s2] =	stream.indirect.scatter.add.f32 [tilespmem:s6], [sflag:$0x3], $0x1, s25, s31, $0xb8;
	[tilespmem:$0xD000] =	vst v63  }
0xf1: {  	s6 =	smov.u32 s5;
	p1 =	sne.s32 s5, $0x3E00  }
.Ltmp8:
0xf2: {  	s5 =	sadd.s32 $0x200, s5;
	(pc) =	sbr.rel @p1 .LBB2_7-.Ltmp8, $3  }
0xf3: {  	_ =	sdelay $0x1  }
0xf4: {  	s25 =	sshra.s32 s6, $0x2  }
0xf5: {  	s6 =	sadd.s32 $0x2000, s25;
	s25 =	sadd.s32 $0x3000, s25  }
.Ltmp9:
0xf6: {  	_ = 	snop;
	(pc) =	sbr.rel .LBB2_8-.Ltmp9, $1  }
0xf7: {  	_ =	sdelay $0x3  }
.LBB2_15:
0xf8: {  	_ =	sfence.sel $0x180000  }
0xf9: {  	[bflag:$0x0] =	sbarrier.arrive $0xFFFF  }
0xfa: {  	_ =	strace $0x90000047  }
0xfb: {  	[bflag:$0x2] =	sbarrier.arrive $0xFFFF  }
0xfc: {  	p0 =	sne.s32 s1, $0x0;
	s0 =	rddreg [dreg:$0x8]  }
0xfd: {  	s0 =	sadd.s32 @!p0 $0x100000, s0  }
0xfe: {  	[sflag:s0] =	ssyncadd.tile.s32 @!p0 $0x1;
	_ =	shalt  }
.Lfunc_end2:
_tile_overlayer_lowered:
.L_overlay_start_2:
0xff: {  	(tag) =	ssettag $0x2  }
0x100: {  	s0 =	rddreg [dreg:$0x0];
	s2 =	stileid.u32  }
0x101: {  	s1 =	rddreg [dreg:$0x1];
	p0 =	sne.s32 s2, $0x0  }
0x102: {  	s3 =	rddreg [dreg:$0x2];
	[bflag:$0x3] =	sbarrier.arrive $0xFFFF;
	s2 =	simm.s32 @!p0 $0x1C04  }
0x103: {  	[timem:s3], [sflag:s2] =	dma.local @!p0 [hbm:s0], s1  }
0x104: {  	s0 =	simm.s32 @!p0 $0x4  }
0x105: {  	_ =	swait.ge @!p0 [sflag:s0], s1  }
0x106: {  	s1 =	ssub.s32 @!p0 $0x0, s1;
	[sflag:s0] =	ssyncset.done @!p0 $0x0  }
0x107: {  	[sflag:s0] =	ssyncadd.s32 @!p0 s1  }
0x108: {  	[bflag:$0x3] =	sbarrier.arrive $0xFFFF  }
0x109: {  	_ =	shalt  }

</sc_bundles>
